<compile_context>
chip_gen: v7x
topology: tpu7x:2x2x1
jax: 0.10.2.dev20260603
libtpu: 0.0.44.dev20260713+nightly
codegen_flags: <defaults>
</compile_context>

<pallas_src>
import functools

import jax
import jax.numpy as jnp
from jax import lax
from jax.experimental import pallas as pl
from jax.experimental.pallas import tpu as pltpu
from jax.experimental.pallas import tpu_sc as plsc

N = 10000
E = 320000
D = 128
H = 64
FH = (D + H) // 2

NC = 2
NS = 16
NW = NC * NS
BE = 80
RPT = 624
TAIL = N - NS * RPT

_MESH = plsc.VectorSubcoreMesh(core_axis_name="c", subcore_axis_name="s")


@functools.partial(
    pl.kernel,
    out_type=jax.ShapeDtypeStruct((NC, N, 2 * H), jnp.float32),
    mesh=_MESH,
    scratch_types=[
        pltpu.VMEM((BE,), jnp.int32),
        pltpu.VMEM((BE,), jnp.int32),
        pltpu.VMEM((BE, 2 * H), jnp.float32),
        pltpu.VMEM_SHARED((N, 2 * H), jnp.float32),
        pltpu.SemaphoreType.DMA,
    ],
)
def _segsum_p(table, src, dst, zrows, out, src_v, dst_v, rows_v, acc, sem):
  cid = lax.axis_index("c")
  sid = lax.axis_index("s")
  wid = sid * NC + cid
  epw = E // NW
  pltpu.sync_copy(zrows, acc.at[pl.ds(sid * RPT, RPT)])

  @pl.when(sid == NS - 1)
  def _():
    pltpu.sync_copy(zrows.at[pl.ds(0, TAIL)], acc.at[pl.ds(NS * RPT, TAIL)])

  plsc.subcore_barrier()
  base = wid * epw

  def body(c, carry):
    off = base + c * BE
    pltpu.sync_copy(src.at[pl.ds(off, BE)], src_v)
    pltpu.sync_copy(dst.at[pl.ds(off, BE)], dst_v)
    pltpu.async_copy(table.at[src_v], rows_v, sem).wait()
    pltpu.sync_copy(rows_v, acc.at[dst_v], add=True)
    return carry

  lax.fori_loop(0, epw // BE, body, 0)
  plsc.subcore_barrier()
  pltpu.sync_copy(acc.at[pl.ds(sid * RPT, RPT)],
                  out.at[cid, pl.ds(sid * RPT, RPT)])

  @pl.when(sid == NS - 1)
  def _():
    pltpu.sync_copy(acc.at[pl.ds(NS * RPT, TAIL)],
                    out.at[cid, pl.ds(NS * RPT, TAIL)])


@functools.partial(
    pl.kernel,
    out_type=jax.ShapeDtypeStruct((NC, N, FH), jnp.float32),
    mesh=_MESH,
    scratch_types=[
        pltpu.VMEM((BE,), jnp.int32),
        pltpu.VMEM((BE,), jnp.int32),
        pltpu.VMEM((BE, FH), jnp.float32),
        pltpu.VMEM_SHARED((N, FH), jnp.float32),
        pltpu.SemaphoreType.DMA,
    ],
    compiler_params=pltpu.CompilerParams(use_tc_tiling_on_sc=False),
)
def _segsum_xs(tab_a, tab_b, src, dst, zrows, out, src_v, dst_v, rows_v, acc,
               sem):
  cid = lax.axis_index("c")
  sid = lax.axis_index("s")
  eps = E // NS
  pltpu.sync_copy(zrows, acc.at[pl.ds(sid * RPT, RPT)])

  @pl.when(sid == NS - 1)
  def _():
    pltpu.sync_copy(zrows.at[pl.ds(0, TAIL)], acc.at[pl.ds(NS * RPT, TAIL)])

  plsc.subcore_barrier()
  base = sid * eps

  def body(c, carry):
    off = base + c * BE
    pltpu.sync_copy(src.at[pl.ds(off, BE)], src_v)
    pltpu.sync_copy(dst.at[pl.ds(off, BE)], dst_v)

    @pl.when(cid == 0)
    def _():
      pltpu.async_copy(tab_a.at[src_v], rows_v, sem).wait()

    @pl.when(cid == 1)
    def _():
      pltpu.async_copy(tab_b.at[src_v], rows_v, sem).wait()

    pltpu.sync_copy(rows_v, acc.at[dst_v], add=True)
    return carry

  lax.fori_loop(0, eps // BE, body, 0)
  plsc.subcore_barrier()
  pltpu.sync_copy(acc.at[pl.ds(sid * RPT, RPT)],
                  out.at[cid, pl.ds(sid * RPT, RPT)])

  @pl.when(sid == NS - 1)
  def _():
    pltpu.sync_copy(acc.at[pl.ds(NS * RPT, TAIL)],
                    out.at[cid, pl.ds(NS * RPT, TAIL)])


def _pre_body(x_ref, ws_ref, wd_ref, p_ref, hd_ref):
  xv = x_ref[...]
  m = jnp.maximum(
      jnp.dot(xv, ws_ref[...], preferred_element_type=jnp.float32), 0.0) + 1e-7
  e = jnp.exp(m)
  p_ref[...] = jnp.concatenate([e, m * e], axis=1)
  hd_ref[...] = jnp.dot(xv, wd_ref[...], preferred_element_type=jnp.float32)


def _mid_body(s_ref, hd_ref, x_ref, w1_ref, g_ref, b_ref, w2_ref, pw_ref,
              pb_ref, xsa_ref, xsb_ref, hc_ref):
  ssum = s_ref[0] + s_ref[1]
  aggr = ssum[:, H:] / (ssum[:, :H] + 1e-16)
  out = aggr + hd_ref[...]
  h1 = jnp.dot(out, w1_ref[...], preferred_element_type=jnp.float32)
  mean = jnp.mean(h1, axis=0, keepdims=True)
  h1c = h1 - mean
  var = jnp.mean(h1c * h1c, axis=0, keepdims=True)
  hn = h1c * lax.rsqrt(var + 1e-5) * g_ref[...] + b_ref[...]
  hn = jnp.maximum(hn, 0.0)
  gen_out = jnp.dot(hn, w2_ref[...], preferred_element_type=jnp.float32)
  hc = jax.nn.sigmoid(jnp.concatenate([x_ref[...], gen_out], axis=1))
  hc_ref[...] = hc
  xs = jnp.maximum(
      jnp.dot(hc, pw_ref[...], preferred_element_type=jnp.float32)
      + pb_ref[...], 0.0)
  xsa_ref[...] = xs[:, :FH]
  xsb_ref[...] = xs[:, FH:]


def _post_body(a_ref, hc_ref, ll_ref, lb_ref, lr_ref, fw_ref, fb_ref,
               prob_ref, logit_ref):
  aggr2 = jnp.concatenate([a_ref[0], a_ref[1]], axis=1)
  h = (jnp.dot(aggr2, ll_ref[...], preferred_element_type=jnp.float32)
       + lb_ref[...]
       + jnp.dot(hc_ref[...], lr_ref[...], preferred_element_type=jnp.float32))
  h = jax.nn.sigmoid(h)
  logits = jnp.sum(h * fw_ref[...], axis=1, keepdims=True) + fb_ref[...]
  logit_ref[...] = logits
  prob_ref[...] = jax.nn.sigmoid(logits)


def kernel(x, edge_index, gen_w_src, gen_w_dst, gen_mlp_w1, gen_bn_gamma,
           gen_bn_beta, gen_mlp_w2, sage_proj_w, sage_proj_b, sage_lin_l_w,
           sage_lin_l_b, sage_lin_r_w, fc_w, fc_b):
  src = edge_index[0]
  dst = edge_index[1]

  p_tab, h_dst = pl.pallas_call(
      _pre_body,
      out_shape=(jax.ShapeDtypeStruct((N, 2 * H), jnp.float32),
                 jax.ShapeDtypeStruct((N, H), jnp.float32)),
  )(x, gen_w_src, gen_w_dst)

  s_part = _segsum_p(p_tab, src, dst, jnp.zeros((RPT, 2 * H), jnp.float32))

  xs_a, xs_b, hc = pl.pallas_call(
      _mid_body,
      out_shape=(jax.ShapeDtypeStruct((N, FH), jnp.float32),
                 jax.ShapeDtypeStruct((N, FH), jnp.float32),
                 jax.ShapeDtypeStruct((N, D + H), jnp.float32)),
  )(s_part, h_dst, x, gen_mlp_w1, gen_bn_gamma.reshape(1, -1),
    gen_bn_beta.reshape(1, -1), gen_mlp_w2, sage_proj_w,
    sage_proj_b.reshape(1, -1))

  a2_part = _segsum_xs(xs_a, xs_b, src, dst,
                       jnp.zeros((RPT, FH), jnp.float32))

  prob, logits = pl.pallas_call(
      _post_body,
      out_shape=(jax.ShapeDtypeStruct((N, 1), jnp.float32),
                 jax.ShapeDtypeStruct((N, 1), jnp.float32)),
  )(a2_part, hc, sage_lin_l_w, sage_lin_l_b.reshape(1, -1), sage_lin_r_w,
    fc_w.reshape(1, -1), fc_b.reshape(1, 1))

  return prob, logits

# --- scband reference (transcript-rebuilt; emitter-appended) ---
"""Pipeline reference for scband-policy-module-86053964742747 (READ-ONLY COPY).

The authoritative reference and input builder live on the scoring server;
editing this copy changes nothing except your own understanding.
"""

import jax, jax.numpy as jnp
import numpy as np

N = 10000
E = 320000
D = 128
H = 64

def _init(key, shape, scale):
    return jax.random.normal(key, shape, dtype=jnp.float32) * scale

def setup_inputs(seed: int = 0):
    key = jax.random.key(seed)
    ks = jax.random.split(key, 16)
    x = jax.random.normal(ks[0], (N, D), dtype=jnp.float32)
    edge_index = jax.random.randint(ks[1], (2, E), 0, N, dtype=jnp.int32)
    return {
        "x": x,
        "edge_index": edge_index,
        "gen_w_src": _init(ks[2], (D, H), (1.0 / D) ** 0.5),
        "gen_w_dst": _init(ks[3], (D, H), (1.0 / D) ** 0.5),
        "gen_mlp_w1": _init(ks[4], (H, 2 * H), (1.0 / H) ** 0.5),
        "gen_bn_gamma": jnp.ones((2 * H,), jnp.float32),
        "gen_bn_beta": jnp.zeros((2 * H,), jnp.float32),
        "gen_mlp_w2": _init(ks[5], (2 * H, H), (1.0 / (2 * H)) ** 0.5),
        "sage_proj_w": _init(ks[6], (D + H, D + H), (1.0 / (D + H)) ** 0.5),
        "sage_proj_b": jnp.zeros((D + H,), jnp.float32),
        "sage_lin_l_w": _init(ks[7], (D + H, H), (1.0 / (D + H)) ** 0.5),
        "sage_lin_l_b": jnp.zeros((H,), jnp.float32),
        "sage_lin_r_w": _init(ks[8], (D + H, H), (1.0 / (D + H)) ** 0.5),
        "fc_w": _init(ks[9], (H, 1), (1.0 / H) ** 0.5),
        "fc_b": jnp.zeros((1,), jnp.float32),
    }

def _segment_softmax(xe, seg, num_segments):
    seg_max = jax.ops.segment_max(xe, seg, num_segments=num_segments)
    seg_max = jnp.where(jnp.isfinite(seg_max), seg_max, 0.0)
    ex = jnp.exp(xe - seg_max[seg])
    denom = jax.ops.segment_sum(ex, seg, num_segments=num_segments)
    return ex / (denom[seg] + 1e-16)

def _forward(x, edge_index, gen_w_src, gen_w_dst, gen_mlp_w1, gen_bn_gamma, gen_bn_beta, gen_mlp_w2, sage_proj_w, sage_proj_b, sage_lin_l_w, sage_lin_l_b, sage_lin_r_w, fc_w, fc_b):
    src = edge_index[0]
    dst = edge_index[1]
    n = x.shape[0]
    # --- conv1: GENConv(128 -> 64, aggr='softmax', t=1.0) ---
    h_src = x @ gen_w_src                      # lin_src (bias=False)
    msg = jnp.maximum(h_src[src], 0.0) + 1e-7  # message: relu(x_j) + eps
    alpha = _segment_softmax(msg, dst, n)      # SoftmaxAggregation, t=1.0
    aggr = jax.ops.segment_sum(msg * alpha, dst, num_segments=n)
    out = aggr + x @ gen_w_dst                 # + lin_dst(x_dst)
    # GENConv internal MLP [64, 128, 64], norm='batch' (training-mode stats), bias=False
    h = out @ gen_mlp_w1
    mean = h.mean(axis=0)
    var = h.var(axis=0)
    h = (h - mean) / jnp.sqrt(var + 1e-5) * gen_bn_gamma + gen_bn_beta
    h = jnp.maximum(h, 0.0)
    gen_out = h @ gen_mlp_w2
    # --- DeepGCNLayer block='dense': concat input and conv output ---
    h = jnp.concatenate([x, gen_out], axis=-1)  # [N, 192]
    # self.relu is actually Sigmoid()
    h = jax.nn.sigmoid(h)
    # --- conv2: SAGEConv(192 -> 64, project=True, aggr=DeepSetsAggregation() == sum) ---
    xs = jnp.maximum(h @ sage_proj_w + sage_proj_b, 0.0)  # lin(x).relu()
    aggr2 = jax.ops.segment_sum(xs[src], dst, num_segments=n)
    h = aggr2 @ sage_lin_l_w + sage_lin_l_b + h @ sage_lin_r_w
    h = jax.nn.sigmoid(h)
    logits = h @ fc_w + fc_b
    out_prob = jax.nn.sigmoid(logits)  # training-mode branch
    return out_prob, logits

def reference(x, edge_index, gen_w_src, gen_w_dst, gen_mlp_w1, gen_bn_gamma, gen_bn_beta, gen_mlp_w2, sage_proj_w, sage_proj_b, sage_lin_l_w, sage_lin_l_b, sage_lin_r_w, fc_w, fc_b):
    return _forward(x, edge_index, gen_w_src, gen_w_dst, gen_mlp_w1, gen_bn_gamma, gen_bn_beta, gen_mlp_w2, sage_proj_w, sage_proj_b, sage_lin_l_w, sage_lin_l_b, sage_lin_r_w, fc_w, fc_b)

if __name__ == "__main__":
    import jax
    _d = setup_inputs()
    print(jax.jit(kernel)(*tuple(_d.values())))

</pallas_src>

<mosaic_0001>
#map = affine_map<(d0, d1) -> (0, 0)>
#map1 = affine_map<(d0, d1) -> (0)>
#map2 = affine_map<(d0, d1) -> (0, 0, 0)>
module attributes {stable_mosaic.version = 14 : i64} {
  func.func @_segsum_p(%arg0: i32, %arg1: i32, %arg2: memref<10000x128xf32, #tpu.memory_space<hbm>>, %arg3: memref<320000xi32, #tpu.memory_space<hbm>>, %arg4: memref<320000xi32, #tpu.memory_space<hbm>>, %arg5: memref<624x128xf32, #tpu.memory_space<hbm>>, %arg6: memref<2x10000x128xf32, #tpu.memory_space<hbm>>, %arg7: memref<80xi32, #tpu.memory_space<vmem>>, %arg8: memref<80xi32, #tpu.memory_space<vmem>>, %arg9: memref<80x128xf32, #tpu.memory_space<vmem>>, %arg10: memref<10000x128xf32, #tpu.memory_space<vmem_shared>>, %arg11: memref<!tpu.dma_semaphore, #tpu.memory_space<semaphore_mem>>) attributes {dimension_semantics = [#tpu.dimension_semantics<core_parallel>, #tpu.dimension_semantics<subcore_parallel>], iteration_bounds = array<i64: 2, 16>, scalar_prefetch = 0 : i64, scratch_operands = 5 : i64, tpu.core_type = #tpu.core_type<sc_vector_subcore>, window_params = [{transform_indices = #map}, {transform_indices = #map1}, {transform_indices = #map1}, {transform_indices = #map}, {transform_indices = #map2}]} {
    %mul3A = arith.constant 2 : i32
    %mul3A_0 = arith.muli %arg1, %mul3A : i32
    %add3A = arith.addi %mul3A_0, %arg0 : i32
    %mul3A_1 = arith.constant 624 : i32
    %mul3A_2 = arith.muli %arg1, %mul3A_1 : i32
    "tpu.region"() ({
      %run_scoped3A = tpu.sem_alloc : memref<!tpu.dma_semaphore, #tpu.memory_space<semaphore_mem>>
      %dma_start3A = arith.constant 0 : i32
      %dma_start3A_22 = tpu.memref_slice %arg10[%mul3A_2, %dma_start3A] : memref<10000x128xf32, #tpu.memory_space<vmem_shared>> -> memref<624x128xf32, #tpu.memory_space<vmem_shared>>
      tpu.enqueue_dma source(%arg5 : memref<624x128xf32, #tpu.memory_space<hbm>>) target(%dma_start3A_22 : memref<624x128xf32, #tpu.memory_space<vmem_shared>>) target_semaphore(%run_scoped3A : memref<!tpu.dma_semaphore, #tpu.memory_space<semaphore_mem>>)
      %dma_wait3A = arith.constant 0 : i32
      %dma_wait3A_23 = tpu.memref_slice %arg10[%mul3A_2, %dma_wait3A] : memref<10000x128xf32, #tpu.memory_space<vmem_shared>> -> memref<624x128xf32, #tpu.memory_space<vmem_shared>>
      tpu.wait_dma2 semaphore(%run_scoped3A : memref<!tpu.dma_semaphore, #tpu.memory_space<semaphore_mem>>) src(%arg5 : memref<624x128xf32, #tpu.memory_space<hbm>>) dst(%dma_wait3A_23 : memref<624x128xf32, #tpu.memory_space<vmem_shared>>)
      tpu.yield
    }) : () -> ()
    %eq3A = arith.constant 15 : i32
    %eq3A_3 = arith.cmpi eq, %arg1, %eq3A : i32
    %convert_element_type3A = arith.extui %eq3A_3 : i1 to i32
    %cond3A = arith.constant 0 : i32
    %cond3A_4 = arith.cmpi ne, %convert_element_type3A, %cond3A : i32
    scf.if %cond3A_4 {
      "tpu.region"() ({
        %run_scoped3A = tpu.sem_alloc : memref<!tpu.dma_semaphore, #tpu.memory_space<semaphore_mem>>
        %dma_start3A = arith.constant 9984 : i32
        %dma_start3A_22 = arith.constant 0 : i32
        %dma_start3A_23 = tpu.memref_slice %arg10[%dma_start3A, %dma_start3A_22] : memref<10000x128xf32, #tpu.memory_space<vmem_shared>> -> memref<16x128xf32, #tpu.memory_space<vmem_shared>>
        %dma_start3A_24 = arith.constant 0 : i32
        %dma_start3A_25 = arith.constant 0 : i32
        %dma_start3A_26 = tpu.memref_slice %arg5[%dma_start3A_24, %dma_start3A_25] : memref<624x128xf32, #tpu.memory_space<hbm>> -> memref<16x128xf32, #tpu.memory_space<hbm>>
        tpu.enqueue_dma source(%dma_start3A_26 : memref<16x128xf32, #tpu.memory_space<hbm>>) target(%dma_start3A_23 : memref<16x128xf32, #tpu.memory_space<vmem_shared>>) target_semaphore(%run_scoped3A : memref<!tpu.dma_semaphore, #tpu.memory_space<semaphore_mem>>)
        %dma_wait3A = arith.constant 9984 : i32
        %dma_wait3A_27 = arith.constant 0 : i32
        %dma_wait3A_28 = tpu.memref_slice %arg10[%dma_wait3A, %dma_wait3A_27] : memref<10000x128xf32, #tpu.memory_space<vmem_shared>> -> memref<16x128xf32, #tpu.memory_space<vmem_shared>>
        %dma_wait3A_29 = arith.constant 0 : i32
        %dma_wait3A_30 = arith.constant 0 : i32
        %dma_wait3A_31 = tpu.memref_slice %arg5[%dma_wait3A_29, %dma_wait3A_30] : memref<624x128xf32, #tpu.memory_space<hbm>> -> memref<16x128xf32, #tpu.memory_space<hbm>>
        tpu.wait_dma2 semaphore(%run_scoped3A : memref<!tpu.dma_semaphore, #tpu.memory_space<semaphore_mem>>) src(%dma_wait3A_31 : memref<16x128xf32, #tpu.memory_space<hbm>>) dst(%dma_wait3A_28 : memref<16x128xf32, #tpu.memory_space<vmem_shared>>)
        tpu.yield
      }) : () -> ()
    } else {
    }
    %barrier3A = arith.constant 0 : index
    tpu.barrier barrier_id(%barrier3A)
    %mul3A_5 = arith.constant 10000 : i32
    %mul3A_6 = arith.muli %add3A, %mul3A_5 : i32
    %scan3A = arith.constant 0 : i32
    %scan3A_7 = arith.constant 0 : i32
    %scan3A_8 = arith.constant 125 : i32
    %scan3A_9 = arith.addi %scan3A_7, %scan3A_8 : i32
    %scan3A_10 = arith.constant 1 : i32
    scf.for %scan3A_22 = %scan3A_7 to %scan3A_9 step %scan3A_10  : i32 {
      %mul3A_23 = arith.constant 80 : i32
      %mul3A_24 = arith.muli %scan3A_22, %mul3A_23 : i32
      %add3A_25 = arith.addi %mul3A_6, %mul3A_24 : i32
      "tpu.region"() ({
        %run_scoped3A = tpu.sem_alloc : memref<!tpu.dma_semaphore, #tpu.memory_space<semaphore_mem>>
        %dma_start3A_30 = tpu.memref_slice %arg3[%add3A_25] : memref<320000xi32, #tpu.memory_space<hbm>> -> memref<80xi32, #tpu.memory_space<hbm>>
        %dma_start3A_31 = tpu.memref_slice %arg3[%add3A_25] : memref<320000xi32, #tpu.memory_space<hbm>> -> memref<80xi32, #tpu.memory_space<hbm>>
        tpu.enqueue_dma source(%dma_start3A_31 : memref<80xi32, #tpu.memory_space<hbm>>) target(%arg7 : memref<80xi32, #tpu.memory_space<vmem>>) target_semaphore(%run_scoped3A : memref<!tpu.dma_semaphore, #tpu.memory_space<semaphore_mem>>)
        %dma_wait3A_32 = tpu.memref_slice %arg3[%add3A_25] : memref<320000xi32, #tpu.memory_space<hbm>> -> memref<80xi32, #tpu.memory_space<hbm>>
        %dma_wait3A_33 = tpu.memref_slice %arg3[%add3A_25] : memref<320000xi32, #tpu.memory_space<hbm>> -> memref<80xi32, #tpu.memory_space<hbm>>
        tpu.wait_dma2 semaphore(%run_scoped3A : memref<!tpu.dma_semaphore, #tpu.memory_space<semaphore_mem>>) src(%dma_wait3A_33 : memref<80xi32, #tpu.memory_space<hbm>>) dst(%arg7 : memref<80xi32, #tpu.memory_space<vmem>>)
        tpu.yield
      }) : () -> ()
      "tpu.region"() ({
        %run_scoped3A = tpu.sem_alloc : memref<!tpu.dma_semaphore, #tpu.memory_space<semaphore_mem>>
        %dma_start3A_30 = tpu.memref_slice %arg4[%add3A_25] : memref<320000xi32, #tpu.memory_space<hbm>> -> memref<80xi32, #tpu.memory_space<hbm>>
        %dma_start3A_31 = tpu.memref_slice %arg4[%add3A_25] : memref<320000xi32, #tpu.memory_space<hbm>> -> memref<80xi32, #tpu.memory_space<hbm>>
        tpu.enqueue_dma source(%dma_start3A_31 : memref<80xi32, #tpu.memory_space<hbm>>) target(%arg8 : memref<80xi32, #tpu.memory_space<vmem>>) target_semaphore(%run_scoped3A : memref<!tpu.dma_semaphore, #tpu.memory_space<semaphore_mem>>)
        %dma_wait3A_32 = tpu.memref_slice %arg4[%add3A_25] : memref<320000xi32, #tpu.memory_space<hbm>> -> memref<80xi32, #tpu.memory_space<hbm>>
        %dma_wait3A_33 = tpu.memref_slice %arg4[%add3A_25] : memref<320000xi32, #tpu.memory_space<hbm>> -> memref<80xi32, #tpu.memory_space<hbm>>
        tpu.wait_dma2 semaphore(%run_scoped3A : memref<!tpu.dma_semaphore, #tpu.memory_space<semaphore_mem>>) src(%dma_wait3A_33 : memref<80xi32, #tpu.memory_space<hbm>>) dst(%arg8 : memref<80xi32, #tpu.memory_space<vmem>>)
        tpu.yield
      }) : () -> ()
      %dma_start3A = arith.constant 0 : i32
      %dma_start3A_26 = arith.constant 0 : i32
      %dma_start3A_27 = tpu.memref_slice %arg2[%dma_start3A, %dma_start3A_26] : memref<10000x128xf32, #tpu.memory_space<hbm>> -> memref<10000x128xf32, #tpu.memory_space<hbm>>
      tpu.enqueue_indirect_dma source(%dma_start3A_27 : memref<10000x128xf32, #tpu.memory_space<hbm>>) target(%arg9 : memref<80x128xf32, #tpu.memory_space<vmem>>) offsets(%arg7 : memref<80xi32, #tpu.memory_space<vmem>>) semaphore(%arg11 : memref<!tpu.dma_semaphore, #tpu.memory_space<semaphore_mem>>)
      %dma_wait3A = arith.constant 0 : i32
      %dma_wait3A_28 = arith.constant 0 : i32
      %dma_wait3A_29 = tpu.memref_slice %arg2[%dma_wait3A, %dma_wait3A_28] : memref<10000x128xf32, #tpu.memory_space<hbm>> -> memref<10000x128xf32, #tpu.memory_space<hbm>>
      tpu.wait_indirect_dma semaphore(%arg11 : memref<!tpu.dma_semaphore, #tpu.memory_space<semaphore_mem>>) src(%dma_wait3A_29 : memref<10000x128xf32, #tpu.memory_space<hbm>>) dst(%arg9 : memref<80x128xf32, #tpu.memory_space<vmem>>)
      "tpu.region"() ({
        %run_scoped3A = tpu.sem_alloc : memref<!tpu.dma_semaphore, #tpu.memory_space<semaphore_mem>>
        %dma_start3A_30 = arith.constant 0 : i32
        %dma_start3A_31 = arith.constant 0 : i32
        %dma_start3A_32 = tpu.memref_slice %arg10[%dma_start3A_30, %dma_start3A_31] : memref<10000x128xf32, #tpu.memory_space<vmem_shared>> -> memref<10000x128xf32, #tpu.memory_space<vmem_shared>>
        tpu.enqueue_indirect_dma source(%arg9 : memref<80x128xf32, #tpu.memory_space<vmem>>) target(%dma_start3A_32 : memref<10000x128xf32, #tpu.memory_space<vmem_shared>>) offsets(%arg8 : memref<80xi32, #tpu.memory_space<vmem>>) semaphore(%run_scoped3A : memref<!tpu.dma_semaphore, #tpu.memory_space<semaphore_mem>>) {add = true}
        %dma_wait3A_33 = arith.constant 0 : i32
        %dma_wait3A_34 = arith.constant 0 : i32
        %dma_wait3A_35 = tpu.memref_slice %arg10[%dma_wait3A_33, %dma_wait3A_34] : memref<10000x128xf32, #tpu.memory_space<vmem_shared>> -> memref<10000x128xf32, #tpu.memory_space<vmem_shared>>
        tpu.wait_indirect_dma semaphore(%run_scoped3A : memref<!tpu.dma_semaphore, #tpu.memory_space<semaphore_mem>>) src(%arg9 : memref<80x128xf32, #tpu.memory_space<vmem>>) dst(%dma_wait3A_35 : memref<10000x128xf32, #tpu.memory_space<vmem_shared>>)
        tpu.yield
      }) : () -> ()
    }
    %scan3A_11 = arith.constant 125 : i32
    %barrier3A_12 = arith.constant 0 : index
    tpu.barrier barrier_id(%barrier3A_12)
    %mul3A_13 = arith.constant 624 : i32
    %mul3A_14 = arith.muli %arg1, %mul3A_13 : i32
    %mul3A_15 = arith.constant 624 : i32
    %mul3A_16 = arith.muli %arg1, %mul3A_15 : i32
    "tpu.region"() ({
      %run_scoped3A = tpu.sem_alloc : memref<!tpu.dma_semaphore, #tpu.memory_space<semaphore_mem>>
      %dma_start3A = arith.constant 0 : i32
      %dma_start3A_22 = tpu.memref_slice %arg6[%arg0, %mul3A_16, %dma_start3A] : memref<2x10000x128xf32, #tpu.memory_space<hbm>> -> memref<1x624x128xf32, #tpu.memory_space<hbm>>
      %dma_start3A_23 = tpu.memref_squeeze %dma_start3A_22 : memref<1x624x128xf32, #tpu.memory_space<hbm>> -> memref<624x128xf32, #tpu.memory_space<hbm>>
      %dma_start3A_24 = arith.constant 0 : i32
      %dma_start3A_25 = tpu.memref_slice %arg10[%mul3A_14, %dma_start3A_24] : memref<10000x128xf32, #tpu.memory_space<vmem_shared>> -> memref<624x128xf32, #tpu.memory_space<vmem_shared>>
      tpu.enqueue_dma source(%dma_start3A_25 : memref<624x128xf32, #tpu.memory_space<vmem_shared>>) target(%dma_start3A_23 : memref<624x128xf32, #tpu.memory_space<hbm>>) target_semaphore(%run_scoped3A : memref<!tpu.dma_semaphore, #tpu.memory_space<semaphore_mem>>)
      %dma_wait3A = arith.constant 0 : i32
      %dma_wait3A_26 = tpu.memref_slice %arg6[%arg0, %mul3A_16, %dma_wait3A] : memref<2x10000x128xf32, #tpu.memory_space<hbm>> -> memref<1x624x128xf32, #tpu.memory_space<hbm>>
      %dma_wait3A_27 = tpu.memref_squeeze %dma_wait3A_26 : memref<1x624x128xf32, #tpu.memory_space<hbm>> -> memref<624x128xf32, #tpu.memory_space<hbm>>
      %dma_wait3A_28 = arith.constant 0 : i32
      %dma_wait3A_29 = tpu.memref_slice %arg10[%mul3A_14, %dma_wait3A_28] : memref<10000x128xf32, #tpu.memory_space<vmem_shared>> -> memref<624x128xf32, #tpu.memory_space<vmem_shared>>
      tpu.wait_dma2 semaphore(%run_scoped3A : memref<!tpu.dma_semaphore, #tpu.memory_space<semaphore_mem>>) src(%dma_wait3A_29 : memref<624x128xf32, #tpu.memory_space<vmem_shared>>) dst(%dma_wait3A_27 : memref<624x128xf32, #tpu.memory_space<hbm>>)
      tpu.yield
    }) : () -> ()
    %eq3A_17 = arith.constant 15 : i32
    %eq3A_18 = arith.cmpi eq, %arg1, %eq3A_17 : i32
    %convert_element_type3A_19 = arith.extui %eq3A_18 : i1 to i32
    %cond3A_20 = arith.constant 0 : i32
    %cond3A_21 = arith.cmpi ne, %convert_element_type3A_19, %cond3A_20 : i32
    scf.if %cond3A_21 {
      "tpu.region"() ({
        %run_scoped3A = tpu.sem_alloc : memref<!tpu.dma_semaphore, #tpu.memory_space<semaphore_mem>>
        %dma_start3A = arith.constant 9984 : i32
        %dma_start3A_22 = arith.constant 0 : i32
        %dma_start3A_23 = tpu.memref_slice %arg6[%arg0, %dma_start3A, %dma_start3A_22] : memref<2x10000x128xf32, #tpu.memory_space<hbm>> -> memref<1x16x128xf32, #tpu.memory_space<hbm>>
        %dma_start3A_24 = tpu.memref_squeeze %dma_start3A_23 : memref<1x16x128xf32, #tpu.memory_space<hbm>> -> memref<16x128xf32, #tpu.memory_space<hbm>>
        %dma_start3A_25 = arith.constant 9984 : i32
        %dma_start3A_26 = arith.constant 0 : i32
        %dma_start3A_27 = tpu.memref_slice %arg10[%dma_start3A_25, %dma_start3A_26] : memref<10000x128xf32, #tpu.memory_space<vmem_shared>> -> memref<16x128xf32, #tpu.memory_space<vmem_shared>>
        tpu.enqueue_dma source(%dma_start3A_27 : memref<16x128xf32, #tpu.memory_space<vmem_shared>>) target(%dma_start3A_24 : memref<16x128xf32, #tpu.memory_space<hbm>>) target_semaphore(%run_scoped3A : memref<!tpu.dma_semaphore, #tpu.memory_space<semaphore_mem>>)
        %dma_wait3A = arith.constant 9984 : i32
        %dma_wait3A_28 = arith.constant 0 : i32
        %dma_wait3A_29 = tpu.memref_slice %arg6[%arg0, %dma_wait3A, %dma_wait3A_28] : memref<2x10000x128xf32, #tpu.memory_space<hbm>> -> memref<1x16x128xf32, #tpu.memory_space<hbm>>
        %dma_wait3A_30 = tpu.memref_squeeze %dma_wait3A_29 : memref<1x16x128xf32, #tpu.memory_space<hbm>> -> memref<16x128xf32, #tpu.memory_space<hbm>>
        %dma_wait3A_31 = arith.constant 9984 : i32
        %dma_wait3A_32 = arith.constant 0 : i32
        %dma_wait3A_33 = tpu.memref_slice %arg10[%dma_wait3A_31, %dma_wait3A_32] : memref<10000x128xf32, #tpu.memory_space<vmem_shared>> -> memref<16x128xf32, #tpu.memory_space<vmem_shared>>
        tpu.wait_dma2 semaphore(%run_scoped3A : memref<!tpu.dma_semaphore, #tpu.memory_space<semaphore_mem>>) src(%dma_wait3A_33 : memref<16x128xf32, #tpu.memory_space<vmem_shared>>) dst(%dma_wait3A_30 : memref<16x128xf32, #tpu.memory_space<hbm>>)
        tpu.yield
      }) : () -> ()
    } else {
    }
    return
  }
}

#map = affine_map<(d0, d1) -> (0, 0)>
#map1 = affine_map<(d0, d1) -> (0)>
#map2 = affine_map<(d0, d1) -> (0, 0, 0)>
module attributes {stable_mosaic.version = 14 : i64} {
  func.func @_segsum_xs(%arg0: i32, %arg1: i32, %arg2: memref<10000x96xf32, #tpu.memory_space<hbm>>, %arg3: memref<10000x96xf32, #tpu.memory_space<hbm>>, %arg4: memref<320000xi32, #tpu.memory_space<hbm>>, %arg5: memref<320000xi32, #tpu.memory_space<hbm>>, %arg6: memref<624x96xf32, #tpu.memory_space<hbm>>, %arg7: memref<2x10000x96xf32, #tpu.memory_space<hbm>>, %arg8: memref<80xi32, #tpu.memory_space<vmem>>, %arg9: memref<80xi32, #tpu.memory_space<vmem>>, %arg10: memref<80x96xf32, #tpu.memory_space<vmem>>, %arg11: memref<10000x96xf32, #tpu.memory_space<vmem_shared>>, %arg12: memref<!tpu.dma_semaphore, #tpu.memory_space<semaphore_mem>>) attributes {dimension_semantics = [#tpu.dimension_semantics<core_parallel>, #tpu.dimension_semantics<subcore_parallel>], iteration_bounds = array<i64: 2, 16>, scalar_prefetch = 0 : i64, scratch_operands = 5 : i64, tpu.core_type = #tpu.core_type<sc_vector_subcore>, window_params = [{transform_indices = #map}, {transform_indices = #map}, {transform_indices = #map1}, {transform_indices = #map1}, {transform_indices = #map}, {transform_indices = #map2}]} {
    %mul3A = arith.constant 624 : i32
    %mul3A_0 = arith.muli %arg1, %mul3A : i32
    "tpu.region"() ({
      %run_scoped3A = tpu.sem_alloc : memref<!tpu.dma_semaphore, #tpu.memory_space<semaphore_mem>>
      %dma_start3A = arith.constant 0 : i32
      %dma_start3A_20 = tpu.memref_slice %arg11[%mul3A_0, %dma_start3A] : memref<10000x96xf32, #tpu.memory_space<vmem_shared>> -> memref<624x96xf32, #tpu.memory_space<vmem_shared>>
      tpu.enqueue_dma source(%arg6 : memref<624x96xf32, #tpu.memory_space<hbm>>) target(%dma_start3A_20 : memref<624x96xf32, #tpu.memory_space<vmem_shared>>) target_semaphore(%run_scoped3A : memref<!tpu.dma_semaphore, #tpu.memory_space<semaphore_mem>>)
      %dma_wait3A = arith.constant 0 : i32
      %dma_wait3A_21 = tpu.memref_slice %arg11[%mul3A_0, %dma_wait3A] : memref<10000x96xf32, #tpu.memory_space<vmem_shared>> -> memref<624x96xf32, #tpu.memory_space<vmem_shared>>
      tpu.wait_dma2 semaphore(%run_scoped3A : memref<!tpu.dma_semaphore, #tpu.memory_space<semaphore_mem>>) src(%arg6 : memref<624x96xf32, #tpu.memory_space<hbm>>) dst(%dma_wait3A_21 : memref<624x96xf32, #tpu.memory_space<vmem_shared>>)
      tpu.yield
    }) : () -> ()
    %eq3A = arith.constant 15 : i32
    %eq3A_1 = arith.cmpi eq, %arg1, %eq3A : i32
    %convert_element_type3A = arith.extui %eq3A_1 : i1 to i32
    %cond3A = arith.constant 0 : i32
    %cond3A_2 = arith.cmpi ne, %convert_element_type3A, %cond3A : i32
    scf.if %cond3A_2 {
      "tpu.region"() ({
        %run_scoped3A = tpu.sem_alloc : memref<!tpu.dma_semaphore, #tpu.memory_space<semaphore_mem>>
        %dma_start3A = arith.constant 9984 : i32
        %dma_start3A_20 = arith.constant 0 : i32
        %dma_start3A_21 = tpu.memref_slice %arg11[%dma_start3A, %dma_start3A_20] : memref<10000x96xf32, #tpu.memory_space<vmem_shared>> -> memref<16x96xf32, #tpu.memory_space<vmem_shared>>
        %dma_start3A_22 = arith.constant 0 : i32
        %dma_start3A_23 = arith.constant 0 : i32
        %dma_start3A_24 = tpu.memref_slice %arg6[%dma_start3A_22, %dma_start3A_23] : memref<624x96xf32, #tpu.memory_space<hbm>> -> memref<16x96xf32, #tpu.memory_space<hbm>>
        tpu.enqueue_dma source(%dma_start3A_24 : memref<16x96xf32, #tpu.memory_space<hbm>>) target(%dma_start3A_21 : memref<16x96xf32, #tpu.memory_space<vmem_shared>>) target_semaphore(%run_scoped3A : memref<!tpu.dma_semaphore, #tpu.memory_space<semaphore_mem>>)
        %dma_wait3A = arith.constant 9984 : i32
        %dma_wait3A_25 = arith.constant 0 : i32
        %dma_wait3A_26 = tpu.memref_slice %arg11[%dma_wait3A, %dma_wait3A_25] : memref<10000x96xf32, #tpu.memory_space<vmem_shared>> -> memref<16x96xf32, #tpu.memory_space<vmem_shared>>
        %dma_wait3A_27 = arith.constant 0 : i32
        %dma_wait3A_28 = arith.constant 0 : i32
        %dma_wait3A_29 = tpu.memref_slice %arg6[%dma_wait3A_27, %dma_wait3A_28] : memref<624x96xf32, #tpu.memory_space<hbm>> -> memref<16x96xf32, #tpu.memory_space<hbm>>
        tpu.wait_dma2 semaphore(%run_scoped3A : memref<!tpu.dma_semaphore, #tpu.memory_space<semaphore_mem>>) src(%dma_wait3A_29 : memref<16x96xf32, #tpu.memory_space<hbm>>) dst(%dma_wait3A_26 : memref<16x96xf32, #tpu.memory_space<vmem_shared>>)
        tpu.yield
      }) : () -> ()
    } else {
    }
    %barrier3A = arith.constant 0 : index
    tpu.barrier barrier_id(%barrier3A)
    %mul3A_3 = arith.constant 20000 : i32
    %mul3A_4 = arith.muli %arg1, %mul3A_3 : i32
    %scan3A = arith.constant 0 : i32
    %scan3A_5 = arith.constant 0 : i32
    %scan3A_6 = arith.constant 250 : i32
    %scan3A_7 = arith.addi %scan3A_5, %scan3A_6 : i32
    %scan3A_8 = arith.constant 1 : i32
    scf.for %scan3A_20 = %scan3A_5 to %scan3A_7 step %scan3A_8  : i32 {
      %mul3A_21 = arith.constant 80 : i32
      %mul3A_22 = arith.muli %scan3A_20, %mul3A_21 : i32
      %add3A = arith.addi %mul3A_4, %mul3A_22 : i32
      "tpu.region"() ({
        %run_scoped3A = tpu.sem_alloc : memref<!tpu.dma_semaphore, #tpu.memory_space<semaphore_mem>>
        %dma_start3A = tpu.memref_slice %arg4[%add3A] : memref<320000xi32, #tpu.memory_space<hbm>> -> memref<80xi32, #tpu.memory_space<hbm>>
        %dma_start3A_33 = tpu.memref_slice %arg4[%add3A] : memref<320000xi32, #tpu.memory_space<hbm>> -> memref<80xi32, #tpu.memory_space<hbm>>
        tpu.enqueue_dma source(%dma_start3A_33 : memref<80xi32, #tpu.memory_space<hbm>>) target(%arg8 : memref<80xi32, #tpu.memory_space<vmem>>) target_semaphore(%run_scoped3A : memref<!tpu.dma_semaphore, #tpu.memory_space<semaphore_mem>>)
        %dma_wait3A = tpu.memref_slice %arg4[%add3A] : memref<320000xi32, #tpu.memory_space<hbm>> -> memref<80xi32, #tpu.memory_space<hbm>>
        %dma_wait3A_34 = tpu.memref_slice %arg4[%add3A] : memref<320000xi32, #tpu.memory_space<hbm>> -> memref<80xi32, #tpu.memory_space<hbm>>
        tpu.wait_dma2 semaphore(%run_scoped3A : memref<!tpu.dma_semaphore, #tpu.memory_space<semaphore_mem>>) src(%dma_wait3A_34 : memref<80xi32, #tpu.memory_space<hbm>>) dst(%arg8 : memref<80xi32, #tpu.memory_space<vmem>>)
        tpu.yield
      }) : () -> ()
      "tpu.region"() ({
        %run_scoped3A = tpu.sem_alloc : memref<!tpu.dma_semaphore, #tpu.memory_space<semaphore_mem>>
        %dma_start3A = tpu.memref_slice %arg5[%add3A] : memref<320000xi32, #tpu.memory_space<hbm>> -> memref<80xi32, #tpu.memory_space<hbm>>
        %dma_start3A_33 = tpu.memref_slice %arg5[%add3A] : memref<320000xi32, #tpu.memory_space<hbm>> -> memref<80xi32, #tpu.memory_space<hbm>>
        tpu.enqueue_dma source(%dma_start3A_33 : memref<80xi32, #tpu.memory_space<hbm>>) target(%arg9 : memref<80xi32, #tpu.memory_space<vmem>>) target_semaphore(%run_scoped3A : memref<!tpu.dma_semaphore, #tpu.memory_space<semaphore_mem>>)
        %dma_wait3A = tpu.memref_slice %arg5[%add3A] : memref<320000xi32, #tpu.memory_space<hbm>> -> memref<80xi32, #tpu.memory_space<hbm>>
        %dma_wait3A_34 = tpu.memref_slice %arg5[%add3A] : memref<320000xi32, #tpu.memory_space<hbm>> -> memref<80xi32, #tpu.memory_space<hbm>>
        tpu.wait_dma2 semaphore(%run_scoped3A : memref<!tpu.dma_semaphore, #tpu.memory_space<semaphore_mem>>) src(%dma_wait3A_34 : memref<80xi32, #tpu.memory_space<hbm>>) dst(%arg9 : memref<80xi32, #tpu.memory_space<vmem>>)
        tpu.yield
      }) : () -> ()
      %eq3A_23 = arith.constant 0 : i32
      %eq3A_24 = arith.cmpi eq, %arg0, %eq3A_23 : i32
      %convert_element_type3A_25 = arith.extui %eq3A_24 : i1 to i32
      %cond3A_26 = arith.constant 0 : i32
      %cond3A_27 = arith.cmpi ne, %convert_element_type3A_25, %cond3A_26 : i32
      scf.if %cond3A_27 {
        %dma_start3A = arith.constant 0 : i32
        %dma_start3A_33 = arith.constant 0 : i32
        %dma_start3A_34 = tpu.memref_slice %arg2[%dma_start3A, %dma_start3A_33] : memref<10000x96xf32, #tpu.memory_space<hbm>> -> memref<10000x96xf32, #tpu.memory_space<hbm>>
        tpu.enqueue_indirect_dma source(%dma_start3A_34 : memref<10000x96xf32, #tpu.memory_space<hbm>>) target(%arg10 : memref<80x96xf32, #tpu.memory_space<vmem>>) offsets(%arg8 : memref<80xi32, #tpu.memory_space<vmem>>) semaphore(%arg12 : memref<!tpu.dma_semaphore, #tpu.memory_space<semaphore_mem>>)
        %dma_wait3A = arith.constant 0 : i32
        %dma_wait3A_35 = arith.constant 0 : i32
        %dma_wait3A_36 = tpu.memref_slice %arg2[%dma_wait3A, %dma_wait3A_35] : memref<10000x96xf32, #tpu.memory_space<hbm>> -> memref<10000x96xf32, #tpu.memory_space<hbm>>
        tpu.wait_indirect_dma semaphore(%arg12 : memref<!tpu.dma_semaphore, #tpu.memory_space<semaphore_mem>>) src(%dma_wait3A_36 : memref<10000x96xf32, #tpu.memory_space<hbm>>) dst(%arg10 : memref<80x96xf32, #tpu.memory_space<vmem>>)
      } else {
      }
      %eq3A_28 = arith.constant 1 : i32
      %eq3A_29 = arith.cmpi eq, %arg0, %eq3A_28 : i32
      %convert_element_type3A_30 = arith.extui %eq3A_29 : i1 to i32
      %cond3A_31 = arith.constant 0 : i32
      %cond3A_32 = arith.cmpi ne, %convert_element_type3A_30, %cond3A_31 : i32
      scf.if %cond3A_32 {
        %dma_start3A = arith.constant 0 : i32
        %dma_start3A_33 = arith.constant 0 : i32
        %dma_start3A_34 = tpu.memref_slice %arg3[%dma_start3A, %dma_start3A_33] : memref<10000x96xf32, #tpu.memory_space<hbm>> -> memref<10000x96xf32, #tpu.memory_space<hbm>>
        tpu.enqueue_indirect_dma source(%dma_start3A_34 : memref<10000x96xf32, #tpu.memory_space<hbm>>) target(%arg10 : memref<80x96xf32, #tpu.memory_space<vmem>>) offsets(%arg8 : memref<80xi32, #tpu.memory_space<vmem>>) semaphore(%arg12 : memref<!tpu.dma_semaphore, #tpu.memory_space<semaphore_mem>>)
        %dma_wait3A = arith.constant 0 : i32
        %dma_wait3A_35 = arith.constant 0 : i32
        %dma_wait3A_36 = tpu.memref_slice %arg3[%dma_wait3A, %dma_wait3A_35] : memref<10000x96xf32, #tpu.memory_space<hbm>> -> memref<10000x96xf32, #tpu.memory_space<hbm>>
        tpu.wait_indirect_dma semaphore(%arg12 : memref<!tpu.dma_semaphore, #tpu.memory_space<semaphore_mem>>) src(%dma_wait3A_36 : memref<10000x96xf32, #tpu.memory_space<hbm>>) dst(%arg10 : memref<80x96xf32, #tpu.memory_space<vmem>>)
      } else {
      }
      "tpu.region"() ({
        %run_scoped3A = tpu.sem_alloc : memref<!tpu.dma_semaphore, #tpu.memory_space<semaphore_mem>>
        %dma_start3A = arith.constant 0 : i32
        %dma_start3A_33 = arith.constant 0 : i32
        %dma_start3A_34 = tpu.memref_slice %arg11[%dma_start3A, %dma_start3A_33] : memref<10000x96xf32, #tpu.memory_space<vmem_shared>> -> memref<10000x96xf32, #tpu.memory_space<vmem_shared>>
        tpu.enqueue_indirect_dma source(%arg10 : memref<80x96xf32, #tpu.memory_space<vmem>>) target(%dma_start3A_34 : memref<10000x96xf32, #tpu.memory_space<vmem_shared>>) offsets(%arg9 : memref<80xi32, #tpu.memory_space<vmem>>) semaphore(%run_scoped3A : memref<!tpu.dma_semaphore, #tpu.memory_space<semaphore_mem>>) {add = true}
        %dma_wait3A = arith.constant 0 : i32
        %dma_wait3A_35 = arith.constant 0 : i32
        %dma_wait3A_36 = tpu.memref_slice %arg11[%dma_wait3A, %dma_wait3A_35] : memref<10000x96xf32, #tpu.memory_space<vmem_shared>> -> memref<10000x96xf32, #tpu.memory_space<vmem_shared>>
        tpu.wait_indirect_dma semaphore(%run_scoped3A : memref<!tpu.dma_semaphore, #tpu.memory_space<semaphore_mem>>) src(%arg10 : memref<80x96xf32, #tpu.memory_space<vmem>>) dst(%dma_wait3A_36 : memref<10000x96xf32, #tpu.memory_space<vmem_shared>>)
        tpu.yield
      }) : () -> ()
    }
    %scan3A_9 = arith.constant 250 : i32
    %barrier3A_10 = arith.constant 0 : index
    tpu.barrier barrier_id(%barrier3A_10)
    %mul3A_11 = arith.constant 624 : i32
    %mul3A_12 = arith.muli %arg1, %mul3A_11 : i32
    %mul3A_13 = arith.constant 624 : i32
    %mul3A_14 = arith.muli %arg1, %mul3A_13 : i32
    "tpu.region"() ({
      %run_scoped3A = tpu.sem_alloc : memref<!tpu.dma_semaphore, #tpu.memory_space<semaphore_mem>>
      %dma_start3A = arith.constant 0 : i32
      %dma_start3A_20 = tpu.memref_slice %arg7[%arg0, %mul3A_14, %dma_start3A] : memref<2x10000x96xf32, #tpu.memory_space<hbm>> -> memref<1x624x96xf32, #tpu.memory_space<hbm>>
      %dma_start3A_21 = tpu.memref_squeeze %dma_start3A_20 : memref<1x624x96xf32, #tpu.memory_space<hbm>> -> memref<624x96xf32, #tpu.memory_space<hbm>>
      %dma_start3A_22 = arith.constant 0 : i32
      %dma_start3A_23 = tpu.memref_slice %arg11[%mul3A_12, %dma_start3A_22] : memref<10000x96xf32, #tpu.memory_space<vmem_shared>> -> memref<624x96xf32, #tpu.memory_space<vmem_shared>>
      tpu.enqueue_dma source(%dma_start3A_23 : memref<624x96xf32, #tpu.memory_space<vmem_shared>>) target(%dma_start3A_21 : memref<624x96xf32, #tpu.memory_space<hbm>>) target_semaphore(%run_scoped3A : memref<!tpu.dma_semaphore, #tpu.memory_space<semaphore_mem>>)
      %dma_wait3A = arith.constant 0 : i32
      %dma_wait3A_24 = tpu.memref_slice %arg7[%arg0, %mul3A_14, %dma_wait3A] : memref<2x10000x96xf32, #tpu.memory_space<hbm>> -> memref<1x624x96xf32, #tpu.memory_space<hbm>>
      %dma_wait3A_25 = tpu.memref_squeeze %dma_wait3A_24 : memref<1x624x96xf32, #tpu.memory_space<hbm>> -> memref<624x96xf32, #tpu.memory_space<hbm>>
      %dma_wait3A_26 = arith.constant 0 : i32
      %dma_wait3A_27 = tpu.memref_slice %arg11[%mul3A_12, %dma_wait3A_26] : memref<10000x96xf32, #tpu.memory_space<vmem_shared>> -> memref<624x96xf32, #tpu.memory_space<vmem_shared>>
      tpu.wait_dma2 semaphore(%run_scoped3A : memref<!tpu.dma_semaphore, #tpu.memory_space<semaphore_mem>>) src(%dma_wait3A_27 : memref<624x96xf32, #tpu.memory_space<vmem_shared>>) dst(%dma_wait3A_25 : memref<624x96xf32, #tpu.memory_space<hbm>>)
      tpu.yield
    }) : () -> ()
    %eq3A_15 = arith.constant 15 : i32
    %eq3A_16 = arith.cmpi eq, %arg1, %eq3A_15 : i32
    %convert_element_type3A_17 = arith.extui %eq3A_16 : i1 to i32
    %cond3A_18 = arith.constant 0 : i32
    %cond3A_19 = arith.cmpi ne, %convert_element_type3A_17, %cond3A_18 : i32
    scf.if %cond3A_19 {
      "tpu.region"() ({
        %run_scoped3A = tpu.sem_alloc : memref<!tpu.dma_semaphore, #tpu.memory_space<semaphore_mem>>
        %dma_start3A = arith.constant 9984 : i32
        %dma_start3A_20 = arith.constant 0 : i32
        %dma_start3A_21 = tpu.memref_slice %arg7[%arg0, %dma_start3A, %dma_start3A_20] : memref<2x10000x96xf32, #tpu.memory_space<hbm>> -> memref<1x16x96xf32, #tpu.memory_space<hbm>>
        %dma_start3A_22 = tpu.memref_squeeze %dma_start3A_21 : memref<1x16x96xf32, #tpu.memory_space<hbm>> -> memref<16x96xf32, #tpu.memory_space<hbm>>
        %dma_start3A_23 = arith.constant 9984 : i32
        %dma_start3A_24 = arith.constant 0 : i32
        %dma_start3A_25 = tpu.memref_slice %arg11[%dma_start3A_23, %dma_start3A_24] : memref<10000x96xf32, #tpu.memory_space<vmem_shared>> -> memref<16x96xf32, #tpu.memory_space<vmem_shared>>
        tpu.enqueue_dma source(%dma_start3A_25 : memref<16x96xf32, #tpu.memory_space<vmem_shared>>) target(%dma_start3A_22 : memref<16x96xf32, #tpu.memory_space<hbm>>) target_semaphore(%run_scoped3A : memref<!tpu.dma_semaphore, #tpu.memory_space<semaphore_mem>>)
        %dma_wait3A = arith.constant 9984 : i32
        %dma_wait3A_26 = arith.constant 0 : i32
        %dma_wait3A_27 = tpu.memref_slice %arg7[%arg0, %dma_wait3A, %dma_wait3A_26] : memref<2x10000x96xf32, #tpu.memory_space<hbm>> -> memref<1x16x96xf32, #tpu.memory_space<hbm>>
        %dma_wait3A_28 = tpu.memref_squeeze %dma_wait3A_27 : memref<1x16x96xf32, #tpu.memory_space<hbm>> -> memref<16x96xf32, #tpu.memory_space<hbm>>
        %dma_wait3A_29 = arith.constant 9984 : i32
        %dma_wait3A_30 = arith.constant 0 : i32
        %dma_wait3A_31 = tpu.memref_slice %arg11[%dma_wait3A_29, %dma_wait3A_30] : memref<10000x96xf32, #tpu.memory_space<vmem_shared>> -> memref<16x96xf32, #tpu.memory_space<vmem_shared>>
        tpu.wait_dma2 semaphore(%run_scoped3A : memref<!tpu.dma_semaphore, #tpu.memory_space<semaphore_mem>>) src(%dma_wait3A_31 : memref<16x96xf32, #tpu.memory_space<vmem_shared>>) dst(%dma_wait3A_28 : memref<16x96xf32, #tpu.memory_space<hbm>>)
        tpu.yield
      }) : () -> ()
    } else {
    }
    return
  }
}

module attributes {stable_mosaic.version = 14 : i64} {
  func.func @_mid_body(%arg0: memref<2x10000x128xf32, #tpu.memory_space<vmem>>, %arg1: memref<10000x64xf32, #tpu.memory_space<vmem>>, %arg2: memref<10000x128xf32, #tpu.memory_space<vmem>>, %arg3: memref<64x128xf32, #tpu.memory_space<vmem>>, %arg4: memref<1x128xf32, #tpu.memory_space<vmem>>, %arg5: memref<1x128xf32, #tpu.memory_space<vmem>>, %arg6: memref<128x64xf32, #tpu.memory_space<vmem>>, %arg7: memref<192x192xf32, #tpu.memory_space<vmem>>, %arg8: memref<1x192xf32, #tpu.memory_space<vmem>>, %arg9: memref<10000x96xf32, #tpu.memory_space<vmem>>, %arg10: memref<10000x96xf32, #tpu.memory_space<vmem>>, %arg11: memref<10000x192xf32, #tpu.memory_space<vmem>>) attributes {dimension_semantics = [], scalar_prefetch = 0 : i64, scratch_operands = 0 : i64, tpu.core_type = #tpu.core_type<tc>} {
    %get3A = arith.constant 0 : index
    %get3A_0 = arith.constant 0 : index
    %get3A_1 = arith.constant 0 : index
    %get3A_2 = vector.load %arg0[%get3A, %get3A_0, %get3A_1] : memref<2x10000x128xf32, #tpu.memory_space<vmem>>, vector<1x10000x128xf32>
    %get3A_3 = vector.shape_cast %get3A_2 : vector<1x10000x128xf32> to vector<10000x128xf32>
    %get3A_4 = arith.constant 1 : index
    %get3A_5 = arith.constant 0 : index
    %get3A_6 = arith.constant 0 : index
    %get3A_7 = vector.load %arg0[%get3A_4, %get3A_5, %get3A_6] : memref<2x10000x128xf32, #tpu.memory_space<vmem>>, vector<1x10000x128xf32>
    %get3A_8 = vector.shape_cast %get3A_7 : vector<1x10000x128xf32> to vector<10000x128xf32>
    %add3A = arith.addf %get3A_3, %get3A_8 : vector<10000x128xf32>
    %slice3A = vector.extract_strided_slice %add3A {offsets = [0, 64], sizes = [10000, 64], strides = [1, 1]} : vector<10000x128xf32> to vector<10000x64xf32>
    %slice3A_9 = vector.extract_strided_slice %add3A {offsets = [0, 0], sizes = [10000, 64], strides = [1, 1]} : vector<10000x128xf32> to vector<10000x64xf32>
    %add3A_10 = arith.constant 1.000000e-16 : f32
    %add3A_11 = vector.broadcast %add3A_10 : f32 to vector<10000x64xf32>
    %add3A_12 = arith.addf %slice3A_9, %add3A_11 : vector<10000x64xf32>
    %div3A = arith.divf %slice3A, %add3A_12 : vector<10000x64xf32>
    %get3A_13 = arith.constant 0 : index
    %get3A_14 = arith.constant 0 : index
    %get3A_15 = vector.load %arg1[%get3A_13, %get3A_14] : memref<10000x64xf32, #tpu.memory_space<vmem>>, vector<10000x64xf32>
    %add3A_16 = arith.addf %div3A, %get3A_15 : vector<10000x64xf32>
    %get3A_17 = arith.constant 0 : index
    %get3A_18 = arith.constant 0 : index
    %get3A_19 = vector.load %arg3[%get3A_17, %get3A_18] : memref<64x128xf32, #tpu.memory_space<vmem>>, vector<64x128xf32>
    %dot_general3A = arith.constant dense<0.000000e+00> : vector<10000x128xf32>
    %dot_general3A_20 = tpu.matmul %add3A_16, %get3A_19, %dot_general3A {dimension_numbers = #tpu.dot_dimension_numbers<[1], [0], [0], [1], [0, 0, 1, 1], [], []>, transpose_lhs_hint = false} : vector<10000x64xf32>, vector<64x128xf32>, vector<10000x128xf32> -> vector<10000x128xf32>
    %reduce_sum3A = arith.constant dense<0.000000e+00> : vector<128xf32>
    %reduce_sum3A_21 = vector.multi_reduction <add>, %dot_general3A_20, %reduce_sum3A [0] : vector<10000x128xf32> to vector<128xf32>
    %broadcast_in_dim3A = vector.shape_cast %reduce_sum3A_21 : vector<128xf32> to vector<1x128xf32>
    %div3A_22 = arith.constant 1.000000e+04 : f32
    %div3A_23 = vector.broadcast %div3A_22 : f32 to vector<1x128xf32>
    %div3A_24 = arith.divf %broadcast_in_dim3A, %div3A_23 : vector<1x128xf32>
    %sub3A = vector.broadcast %div3A_24 : vector<1x128xf32> to vector<10000x128xf32>
    %sub3A_25 = arith.subf %dot_general3A_20, %sub3A : vector<10000x128xf32>
    %mul3A = arith.mulf %sub3A_25, %sub3A_25 : vector<10000x128xf32>
    %reduce_sum3A_26 = arith.constant dense<0.000000e+00> : vector<128xf32>
    %reduce_sum3A_27 = vector.multi_reduction <add>, %mul3A, %reduce_sum3A_26 [0] : vector<10000x128xf32> to vector<128xf32>
    %broadcast_in_dim3A_28 = vector.shape_cast %reduce_sum3A_27 : vector<128xf32> to vector<1x128xf32>
    %div3A_29 = arith.constant 1.000000e+04 : f32
    %div3A_30 = vector.broadcast %div3A_29 : f32 to vector<1x128xf32>
    %div3A_31 = arith.divf %broadcast_in_dim3A_28, %div3A_30 : vector<1x128xf32>
    %add3A_32 = arith.constant 9.99999974E-6 : f32
    %add3A_33 = vector.broadcast %add3A_32 : f32 to vector<1x128xf32>
    %add3A_34 = arith.addf %div3A_31, %add3A_33 : vector<1x128xf32>
    %rsqrt3A = math.rsqrt %add3A_34 : vector<1x128xf32>
    %mul3A_35 = vector.broadcast %rsqrt3A : vector<1x128xf32> to vector<10000x128xf32>
    %mul3A_36 = arith.mulf %sub3A_25, %mul3A_35 : vector<10000x128xf32>
    %get3A_37 = arith.constant 0 : index
    %get3A_38 = arith.constant 0 : index
    %get3A_39 = vector.load %arg4[%get3A_37, %get3A_38] : memref<1x128xf32, #tpu.memory_space<vmem>>, vector<1x128xf32>
    %mul3A_40 = vector.broadcast %get3A_39 : vector<1x128xf32> to vector<10000x128xf32>
    %mul3A_41 = arith.mulf %mul3A_36, %mul3A_40 : vector<10000x128xf32>
    %get3A_42 = arith.constant 0 : index
    %get3A_43 = arith.constant 0 : index
    %get3A_44 = vector.load %arg5[%get3A_42, %get3A_43] : memref<1x128xf32, #tpu.memory_space<vmem>>, vector<1x128xf32>
    %add3A_45 = vector.broadcast %get3A_44 : vector<1x128xf32> to vector<10000x128xf32>
    %add3A_46 = arith.addf %mul3A_41, %add3A_45 : vector<10000x128xf32>
    %max3A = arith.constant 0.000000e+00 : f32
    %max3A_47 = vector.broadcast %max3A : f32 to vector<10000x128xf32>
    %max3A_48 = arith.maximumf %add3A_46, %max3A_47 : vector<10000x128xf32>
    %get3A_49 = arith.constant 0 : index
    %get3A_50 = arith.constant 0 : index
    %get3A_51 = vector.load %arg6[%get3A_49, %get3A_50] : memref<128x64xf32, #tpu.memory_space<vmem>>, vector<128x64xf32>
    %dot_general3A_52 = arith.constant dense<0.000000e+00> : vector<10000x64xf32>
    %dot_general3A_53 = tpu.matmul %max3A_48, %get3A_51, %dot_general3A_52 {dimension_numbers = #tpu.dot_dimension_numbers<[1], [0], [0], [1], [0, 0, 1, 1], [], []>, transpose_lhs_hint = false} : vector<10000x128xf32>, vector<128x64xf32>, vector<10000x64xf32> -> vector<10000x64xf32>
    %get3A_54 = arith.constant 0 : index
    %get3A_55 = arith.constant 0 : index
    %get3A_56 = vector.load %arg2[%get3A_54, %get3A_55] : memref<10000x128xf32, #tpu.memory_space<vmem>>, vector<10000x128xf32>
    %concatenate3A = tpu.concatenate %get3A_56, %dot_general3A_53 in 1 : vector<10000x128xf32>, vector<10000x64xf32> -> vector<10000x192xf32>
    %logistic3A = arith.negf %concatenate3A : vector<10000x192xf32>
    %logistic3A_57 = math.exp %logistic3A : vector<10000x192xf32>
    %logistic3A_58 = arith.constant 1.000000e+00 : f32
    %logistic3A_59 = vector.broadcast %logistic3A_58 : f32 to vector<10000x192xf32>
    %logistic3A_60 = arith.addf %logistic3A_59, %logistic3A_57 : vector<10000x192xf32>
    %logistic3A_61 = arith.divf %logistic3A_59, %logistic3A_60 : vector<10000x192xf32>
    %swap3A = arith.constant 0 : index
    %swap3A_62 = arith.constant 0 : index
    %swap3A_63 = vector.load %arg11[%swap3A, %swap3A_62] : memref<10000x192xf32, #tpu.memory_space<vmem>>, vector<10000x192xf32>
    tpu.vector_store %arg11[%swap3A, %swap3A_62], %logistic3A_61 {strides = array<i32>} : memref<10000x192xf32, #tpu.memory_space<vmem>>, vector<10000x192xf32>,
    %get3A_64 = arith.constant 0 : index
    %get3A_65 = arith.constant 0 : index
    %get3A_66 = vector.load %arg7[%get3A_64, %get3A_65] : memref<192x192xf32, #tpu.memory_space<vmem>>, vector<192x192xf32>
    %dot_general3A_67 = arith.constant dense<0.000000e+00> : vector<10000x192xf32>
    %dot_general3A_68 = tpu.matmul %logistic3A_61, %get3A_66, %dot_general3A_67 {dimension_numbers = #tpu.dot_dimension_numbers<[1], [0], [0], [1], [0, 0, 1, 1], [], []>, transpose_lhs_hint = false} : vector<10000x192xf32>, vector<192x192xf32>, vector<10000x192xf32> -> vector<10000x192xf32>
    %get3A_69 = arith.constant 0 : index
    %get3A_70 = arith.constant 0 : index
    %get3A_71 = vector.load %arg8[%get3A_69, %get3A_70] : memref<1x192xf32, #tpu.memory_space<vmem>>, vector<1x192xf32>
    %add3A_72 = vector.broadcast %get3A_71 : vector<1x192xf32> to vector<10000x192xf32>
    %add3A_73 = arith.addf %dot_general3A_68, %add3A_72 : vector<10000x192xf32>
    %max3A_74 = arith.constant 0.000000e+00 : f32
    %max3A_75 = vector.broadcast %max3A_74 : f32 to vector<10000x192xf32>
    %max3A_76 = arith.maximumf %add3A_73, %max3A_75 : vector<10000x192xf32>
    %slice3A_77 = vector.extract_strided_slice %max3A_76 {offsets = [0, 0], sizes = [10000, 96], strides = [1, 1]} : vector<10000x192xf32> to vector<10000x96xf32>
    %swap3A_78 = arith.constant 0 : index
    %swap3A_79 = arith.constant 0 : index
    %swap3A_80 = vector.load %arg9[%swap3A_78, %swap3A_79] : memref<10000x96xf32, #tpu.memory_space<vmem>>, vector<10000x96xf32>
    tpu.vector_store %arg9[%swap3A_78, %swap3A_79], %slice3A_77 {strides = array<i32>} : memref<10000x96xf32, #tpu.memory_space<vmem>>, vector<10000x96xf32>,
    %slice3A_81 = vector.extract_strided_slice %max3A_76 {offsets = [0, 96], sizes = [10000, 96], strides = [1, 1]} : vector<10000x192xf32> to vector<10000x96xf32>
    %swap3A_82 = arith.constant 0 : index
    %swap3A_83 = arith.constant 0 : index
    %swap3A_84 = vector.load %arg10[%swap3A_82, %swap3A_83] : memref<10000x96xf32, #tpu.memory_space<vmem>>, vector<10000x96xf32>
    tpu.vector_store %arg10[%swap3A_82, %swap3A_83], %slice3A_81 {strides = array<i32>} : memref<10000x96xf32, #tpu.memory_space<vmem>>, vector<10000x96xf32>,
    return
  }
}

module attributes {stable_mosaic.version = 14 : i64} {
  func.func @_pre_body(%arg0: memref<10000x128xf32, #tpu.memory_space<vmem>>, %arg1: memref<128x64xf32, #tpu.memory_space<vmem>>, %arg2: memref<128x64xf32, #tpu.memory_space<vmem>>, %arg3: memref<10000x128xf32, #tpu.memory_space<vmem>>, %arg4: memref<10000x64xf32, #tpu.memory_space<vmem>>) attributes {dimension_semantics = [], scalar_prefetch = 0 : i64, scratch_operands = 0 : i64, tpu.core_type = #tpu.core_type<tc>} {
    %get3A = arith.constant 0 : index
    %get3A_0 = arith.constant 0 : index
    %get3A_1 = vector.load %arg0[%get3A, %get3A_0] : memref<10000x128xf32, #tpu.memory_space<vmem>>, vector<10000x128xf32>
    %get3A_2 = arith.constant 0 : index
    %get3A_3 = arith.constant 0 : index
    %get3A_4 = vector.load %arg1[%get3A_2, %get3A_3] : memref<128x64xf32, #tpu.memory_space<vmem>>, vector<128x64xf32>
    %dot_general3A = arith.constant dense<0.000000e+00> : vector<10000x64xf32>
    %dot_general3A_5 = tpu.matmul %get3A_1, %get3A_4, %dot_general3A {dimension_numbers = #tpu.dot_dimension_numbers<[1], [0], [0], [1], [0, 0, 1, 1], [], []>, transpose_lhs_hint = false} : vector<10000x128xf32>, vector<128x64xf32>, vector<10000x64xf32> -> vector<10000x64xf32>
    %max3A = arith.constant 0.000000e+00 : f32
    %max3A_6 = vector.broadcast %max3A : f32 to vector<10000x64xf32>
    %max3A_7 = arith.maximumf %dot_general3A_5, %max3A_6 : vector<10000x64xf32>
    %add3A = arith.constant 1.000000e-07 : f32
    %add3A_8 = vector.broadcast %add3A : f32 to vector<10000x64xf32>
    %add3A_9 = arith.addf %max3A_7, %add3A_8 : vector<10000x64xf32>
    %exp3A = math.exp %add3A_9 : vector<10000x64xf32>
    %mul3A = arith.mulf %add3A_9, %exp3A : vector<10000x64xf32>
    %concatenate3A = tpu.concatenate %exp3A, %mul3A in 1 : vector<10000x64xf32>, vector<10000x64xf32> -> vector<10000x128xf32>
    %swap3A = arith.constant 0 : index
    %swap3A_10 = arith.constant 0 : index
    %swap3A_11 = vector.load %arg3[%swap3A, %swap3A_10] : memref<10000x128xf32, #tpu.memory_space<vmem>>, vector<10000x128xf32>
    tpu.vector_store %arg3[%swap3A, %swap3A_10], %concatenate3A {strides = array<i32>} : memref<10000x128xf32, #tpu.memory_space<vmem>>, vector<10000x128xf32>,
    %get3A_12 = arith.constant 0 : index
    %get3A_13 = arith.constant 0 : index
    %get3A_14 = vector.load %arg2[%get3A_12, %get3A_13] : memref<128x64xf32, #tpu.memory_space<vmem>>, vector<128x64xf32>
    %dot_general3A_15 = arith.constant dense<0.000000e+00> : vector<10000x64xf32>
    %dot_general3A_16 = tpu.matmul %get3A_1, %get3A_14, %dot_general3A_15 {dimension_numbers = #tpu.dot_dimension_numbers<[1], [0], [0], [1], [0, 0, 1, 1], [], []>, transpose_lhs_hint = false} : vector<10000x128xf32>, vector<128x64xf32>, vector<10000x64xf32> -> vector<10000x64xf32>
    %swap3A_17 = arith.constant 0 : index
    %swap3A_18 = arith.constant 0 : index
    %swap3A_19 = vector.load %arg4[%swap3A_17, %swap3A_18] : memref<10000x64xf32, #tpu.memory_space<vmem>>, vector<10000x64xf32>
    tpu.vector_store %arg4[%swap3A_17, %swap3A_18], %dot_general3A_16 {strides = array<i32>} : memref<10000x64xf32, #tpu.memory_space<vmem>>, vector<10000x64xf32>,
    return
  }
}

module attributes {stable_mosaic.version = 14 : i64} {
  func.func @_post_body(%arg0: memref<2x10000x96xf32, #tpu.memory_space<vmem>>, %arg1: memref<10000x192xf32, #tpu.memory_space<vmem>>, %arg2: memref<192x64xf32, #tpu.memory_space<vmem>>, %arg3: memref<1x64xf32, #tpu.memory_space<vmem>>, %arg4: memref<192x64xf32, #tpu.memory_space<vmem>>, %arg5: memref<1x64xf32, #tpu.memory_space<vmem>>, %arg6: memref<1x1xf32, #tpu.memory_space<vmem>>, %arg7: memref<10000x1xf32, #tpu.memory_space<vmem>>, %arg8: memref<10000x1xf32, #tpu.memory_space<vmem>>) attributes {dimension_semantics = [], scalar_prefetch = 0 : i64, scratch_operands = 0 : i64, tpu.core_type = #tpu.core_type<tc>} {
    %get3A = arith.constant 0 : index
    %get3A_0 = arith.constant 0 : index
    %get3A_1 = arith.constant 0 : index
    %get3A_2 = vector.load %arg0[%get3A, %get3A_0, %get3A_1] : memref<2x10000x96xf32, #tpu.memory_space<vmem>>, vector<1x10000x96xf32>
    %get3A_3 = vector.shape_cast %get3A_2 : vector<1x10000x96xf32> to vector<10000x96xf32>
    %get3A_4 = arith.constant 1 : index
    %get3A_5 = arith.constant 0 : index
    %get3A_6 = arith.constant 0 : index
    %get3A_7 = vector.load %arg0[%get3A_4, %get3A_5, %get3A_6] : memref<2x10000x96xf32, #tpu.memory_space<vmem>>, vector<1x10000x96xf32>
    %get3A_8 = vector.shape_cast %get3A_7 : vector<1x10000x96xf32> to vector<10000x96xf32>
    %concatenate3A = tpu.concatenate %get3A_3, %get3A_8 in 1 : vector<10000x96xf32>, vector<10000x96xf32> -> vector<10000x192xf32>
    %get3A_9 = arith.constant 0 : index
    %get3A_10 = arith.constant 0 : index
    %get3A_11 = vector.load %arg2[%get3A_9, %get3A_10] : memref<192x64xf32, #tpu.memory_space<vmem>>, vector<192x64xf32>
    %dot_general3A = arith.constant dense<0.000000e+00> : vector<10000x64xf32>
    %dot_general3A_12 = tpu.matmul %concatenate3A, %get3A_11, %dot_general3A {dimension_numbers = #tpu.dot_dimension_numbers<[1], [0], [0], [1], [0, 0, 1, 1], [], []>, transpose_lhs_hint = false} : vector<10000x192xf32>, vector<192x64xf32>, vector<10000x64xf32> -> vector<10000x64xf32>
    %get3A_13 = arith.constant 0 : index
    %get3A_14 = arith.constant 0 : index
    %get3A_15 = vector.load %arg3[%get3A_13, %get3A_14] : memref<1x64xf32, #tpu.memory_space<vmem>>, vector<1x64xf32>
    %add3A = vector.broadcast %get3A_15 : vector<1x64xf32> to vector<10000x64xf32>
    %add3A_16 = arith.addf %dot_general3A_12, %add3A : vector<10000x64xf32>
    %get3A_17 = arith.constant 0 : index
    %get3A_18 = arith.constant 0 : index
    %get3A_19 = vector.load %arg1[%get3A_17, %get3A_18] : memref<10000x192xf32, #tpu.memory_space<vmem>>, vector<10000x192xf32>
    %get3A_20 = arith.constant 0 : index
    %get3A_21 = arith.constant 0 : index
    %get3A_22 = vector.load %arg4[%get3A_20, %get3A_21] : memref<192x64xf32, #tpu.memory_space<vmem>>, vector<192x64xf32>
    %dot_general3A_23 = arith.constant dense<0.000000e+00> : vector<10000x64xf32>
    %dot_general3A_24 = tpu.matmul %get3A_19, %get3A_22, %dot_general3A_23 {dimension_numbers = #tpu.dot_dimension_numbers<[1], [0], [0], [1], [0, 0, 1, 1], [], []>, transpose_lhs_hint = false} : vector<10000x192xf32>, vector<192x64xf32>, vector<10000x64xf32> -> vector<10000x64xf32>
    %add3A_25 = arith.addf %add3A_16, %dot_general3A_24 : vector<10000x64xf32>
    %logistic3A = arith.negf %add3A_25 : vector<10000x64xf32>
    %logistic3A_26 = math.exp %logistic3A : vector<10000x64xf32>
    %logistic3A_27 = arith.constant 1.000000e+00 : f32
    %logistic3A_28 = vector.broadcast %logistic3A_27 : f32 to vector<10000x64xf32>
    %logistic3A_29 = arith.addf %logistic3A_28, %logistic3A_26 : vector<10000x64xf32>
    %logistic3A_30 = arith.divf %logistic3A_28, %logistic3A_29 : vector<10000x64xf32>
    %get3A_31 = arith.constant 0 : index
    %get3A_32 = arith.constant 0 : index
    %get3A_33 = vector.load %arg5[%get3A_31, %get3A_32] : memref<1x64xf32, #tpu.memory_space<vmem>>, vector<1x64xf32>
    %mul3A = vector.broadcast %get3A_33 : vector<1x64xf32> to vector<10000x64xf32>
    %mul3A_34 = arith.mulf %logistic3A_30, %mul3A : vector<10000x64xf32>
    %reduce_sum3A = arith.constant dense<0.000000e+00> : vector<10000xf32>
    %reduce_sum3A_35 = vector.multi_reduction <add>, %mul3A_34, %reduce_sum3A [1] : vector<10000x64xf32> to vector<10000xf32>
    %broadcast_in_dim3A = vector.shape_cast %reduce_sum3A_35 : vector<10000xf32> to vector<10000x1xf32>
    %get3A_36 = arith.constant 0 : index
    %get3A_37 = arith.constant 0 : index
    %get3A_38 = vector.load %arg6[%get3A_36, %get3A_37] : memref<1x1xf32, #tpu.memory_space<vmem>>, vector<1x1xf32>
    %add3A_39 = vector.broadcast %get3A_38 : vector<1x1xf32> to vector<10000x1xf32>
    %add3A_40 = arith.addf %broadcast_in_dim3A, %add3A_39 : vector<10000x1xf32>
    %swap3A = arith.constant 0 : index
    %swap3A_41 = arith.constant 0 : index
    %swap3A_42 = vector.load %arg8[%swap3A, %swap3A_41] : memref<10000x1xf32, #tpu.memory_space<vmem>>, vector<10000x1xf32>
    tpu.vector_store %arg8[%swap3A, %swap3A_41], %add3A_40 {strides = array<i32>} : memref<10000x1xf32, #tpu.memory_space<vmem>>, vector<10000x1xf32>,
    %logistic3A_43 = arith.negf %add3A_40 : vector<10000x1xf32>
    %logistic3A_44 = math.exp %logistic3A_43 : vector<10000x1xf32>
    %logistic3A_45 = arith.constant 1.000000e+00 : f32
    %logistic3A_46 = vector.broadcast %logistic3A_45 : f32 to vector<10000x1xf32>
    %logistic3A_47 = arith.addf %logistic3A_46, %logistic3A_44 : vector<10000x1xf32>
    %logistic3A_48 = arith.divf %logistic3A_46, %logistic3A_47 : vector<10000x1xf32>
    %swap3A_49 = arith.constant 0 : index
    %swap3A_50 = arith.constant 0 : index
    %swap3A_51 = vector.load %arg7[%swap3A_49, %swap3A_50] : memref<10000x1xf32, #tpu.memory_space<vmem>>, vector<10000x1xf32>
    tpu.vector_store %arg7[%swap3A_49, %swap3A_50], %logistic3A_48 {strides = array<i32>} : memref<10000x1xf32, #tpu.memory_space<vmem>>, vector<10000x1xf32>,
    return
  }
}

</mosaic_0001>

<sc_bundles>
// kernel: kernel.10.cloned.1.call-start
scs
__scs_entry_jumppad:
0x0: {  	(pc) =	sbr.rel $0x88, $3  }
0x1: {  	(tag) =	ssettag $0x0;
	lr =	simm.s32 $0x1  }
0x2: {  	[smem:$0x3F92] =	sst lr;
	_ =	strace $0xD0000000  }
0x3: {  	_ = 	snop  }
0x4: {  	_ = 	snop  }
0x5: {  	_ = 	snop  }
0x6: {  	_ = 	snop  }
0x7: {  	_ = 	snop  }
__scs_overlays_trampoline_lowered:
0x8: {  	[smem:$0x3FA1] =	sst s0  }
0x9: {  	[smem:$0x3FA2] =	sst s1  }
0xa: {  	[smem:$0x3FA3] =	sst s2  }
0xb: {  	[smem:$0x3FA4] =	sst s3  }
0xc: {  	[smem:$0x3FA5] =	sst s4  }
0xd: {  	[smem:$0x3FA6] =	sst s5  }
0xe: {  	[smem:$0x3FA7] =	sst s6  }
0xf: {  	[smem:$0x3FA8] =	sst s7  }
0x10: {  	[smem:$0x3FA9] =	sst s8  }
0x11: {  	[smem:$0x3FAA] =	sst s9;
	s0 =	simm.s32 @!p0 $0x0  }
0x12: {  	s1 =	sld [smem:$0x3F90];
	s0 =	simm.s32 @p0 $0x1  }
0x13: {  	[smem:$0x3FAB] =	sst s0;
	s0 =	simm.s32 @!p1 $0x0  }
0x14: {  	s2 =	sld [smem:$0x3F8F];
	s0 =	simm.s32 @p1 $0x1  }
0x15: {  	[smem:$0x3FAC] =	sst s0;
	s0 =	simm.s32 @!p2 $0x0  }
0x16: {  	s3 =	sld [smem:$0x3FDB];
	s0 =	simm.s32 @p2 $0x1  }
0x17: {  	s4 =	simm.s32 $0x1BF5;
	[smem:$0x3FAE] =	sst s0  }
0x18: {  	s0 =	sld [smem:$0x3F91];
	_ =	swait.ge [sflag:s4], $0x0  }
0x19: {  	s7 =	sld [smem:$0x3F92]  }
0x1a: {  	s8 =	sadd.s32 $0xFFFFE003, lr  }
0x1b: {  	s9 =	sadd.s32 $0xFFFFFEF7, lr;
	s5 =	simm.s32 $0xFFFFFFFF;
	p2 =	slt.u32 s8, $0xFFFFF086  }
0x1c: {  	p1 =	slt.u32 s9, $0xF7A;
	s5 =	simm.s32 @!p2 $0x0  }
0x1d: {  	s5 =	simm.s32 @p1 $0x1;
	p0 =	seq.s32 s7, s2  }
0x1e: {  	s7 =	smul.u32 @!p0 $0xF7A, s2;
	p2 =	seq.s32 @!p0 s5, $0x0  }
0x1f: {  	s9 =	smul.u32 $0xF7A, s1;
	s8 =	simm.s32 @!p0 $0x1BF5;
	p2 =	por !p2, p0  }
0x20: {  	[sflag:s8] =	ssyncset.s32 @!p0 $0xFFFFF086;
	s6 =	sadd.s32 @!p0 s3, s7;
	s7 =	simm.s32 @!p0 $0x108  }
0x21: {  	s3 =	sadd.s32 s3, s9;
	s6 =	sadd.s32 @!p0 $0x88, s6;
	s7 =	simm.s32 @p2 $0x1082  }
0x22: {  	[simem:s7], [sflag:s8] =	dma.local @!p0 [hbm:s6], $0xF7A  }
0x23: {  	s9 =	sor.u32 $0xD0000000, s2;
	s6 =	simm.s32 $0x108;
	_ =	swait.ge @!p0 [sflag:s8], $0x0  }
0x24: {  	s3 =	sadd.s32 $0x88, s3;
	s6 =	simm.s32 @!p1 $0x1082;
	[sflag:s4] =	ssyncset.s32 $0xFFFFF086  }
0x25: {  	[simem:s6], [sflag:s4] =	dma.local [hbm:s3], $0xF7A  }
0x26: {  	[smem:$0x3F92] =	sst s1;
	(tag) =	ssettag s2;
	_ =	strace s9  }
0x27: {  	s1 =	sld [smem:$0x3FA2]  }
0x28: {  	s2 =	sld [smem:$0x3FA3]  }
0x29: {  	s4 =	sld [smem:$0x3FA5]  }
0x2a: {  	p0 =	seq.s32 s5, $0x0;
	s5 =	sld [smem:$0x3FA6]  }
0x2b: {  	s6 =	sld [smem:$0x3FA7]  }
0x2c: {  	s7 =	sld [smem:$0x3FA8]  }
0x2d: {  	s3 =	simm.s32 $0x108;
	s8 =	sld [smem:$0x3FA9]  }
0x2e: {  	s3 =	simm.s32 @!p0 $0x1082;
	s9 =	sld [smem:$0x3FAA]  }
0x2f: {  	lr =	sadd.s32 s0, s3;
	s0 =	sld [smem:$0x3FA1]  }
0x30: {  	s3 =	sld [smem:$0x3FA4]  }
0x31: {  	[smem:$0x3FAD] =	sst s10  }
0x32: {  	s10 =	sld [smem:$0x3FAB];
	_ =	sdelay $0x3  }
0x33: {  	p0 =	seq.s32 s10, $0x1;
	s10 =	sld [smem:$0x3FAD];
	_ =	sdelay $0x3  }
0x34: {  	[smem:$0x3FAD] =	sst s10  }
0x35: {  	s10 =	sld [smem:$0x3FAC];
	_ =	sdelay $0x3  }
0x36: {  	p1 =	seq.s32 s10, $0x1;
	s10 =	sld [smem:$0x3FAD];
	_ =	sdelay $0x3  }
0x37: {  	[smem:$0x3FAD] =	sst s10  }
0x38: {  	s10 =	sld [smem:$0x3FAE]  }
0x39: {  	_ = 	snop;
	(pc) =	sbr.ind lr, $3  }
0x3a: {  	_ = 	snop  }
0x3b: {  	_ = 	snop  }
0x3c: {  	p2 =	seq.s32 s10, $0x1;
	s10 =	sld [smem:$0x3FAD]  }
0x3d: {  	_ =	shalt  }
0x3e: {  	_ =	shalt  }
0x3f: {  	_ =	shalt  }
0x40: {  	_ =	shalt  }
0x41: {  	_ =	shalt  }
0x42: {  	_ =	shalt  }
0x43: {  	_ =	shalt  }
0x44: {  	_ =	shalt  }
0x45: {  	_ =	shalt  }
0x46: {  	_ =	shalt  }
0x47: {  	_ =	shalt  }
0x48: {  	_ =	shalt  }
0x49: {  	_ =	shalt  }
0x4a: {  	_ =	shalt  }
0x4b: {  	_ =	shalt  }
0x4c: {  	_ =	shalt  }
0x4d: {  	_ =	shalt  }
0x4e: {  	_ =	shalt  }
0x4f: {  	_ =	shalt  }
0x50: {  	_ =	shalt  }
0x51: {  	_ =	shalt  }
0x52: {  	_ =	shalt  }
0x53: {  	_ =	shalt  }
0x54: {  	_ =	shalt  }
0x55: {  	_ =	shalt  }
0x56: {  	_ =	shalt  }
0x57: {  	_ =	shalt  }
0x58: {  	_ =	shalt  }
0x59: {  	_ =	shalt  }
0x5a: {  	_ =	shalt  }
0x5b: {  	_ =	shalt  }
0x5c: {  	_ =	shalt  }
0x5d: {  	_ =	shalt  }
0x5e: {  	_ =	shalt  }
0x5f: {  	_ =	shalt  }
0x60: {  	_ =	shalt  }
0x61: {  	_ =	shalt  }
0x62: {  	_ =	shalt  }
0x63: {  	_ =	shalt  }
0x64: {  	_ =	shalt  }
0x65: {  	_ =	shalt  }
0x66: {  	_ =	shalt  }
0x67: {  	_ =	shalt  }
0x68: {  	_ =	shalt  }
0x69: {  	_ =	shalt  }
0x6a: {  	_ =	shalt  }
0x6b: {  	_ =	shalt  }
0x6c: {  	_ =	shalt  }
0x6d: {  	_ =	shalt  }
0x6e: {  	_ =	shalt  }
0x6f: {  	_ =	shalt  }
0x70: {  	_ =	shalt  }
0x71: {  	_ =	shalt  }
0x72: {  	_ =	shalt  }
0x73: {  	_ =	shalt  }
0x74: {  	_ =	shalt  }
0x75: {  	_ =	shalt  }
0x76: {  	_ =	shalt  }
0x77: {  	_ =	shalt  }
0x78: {  	_ =	shalt  }
0x79: {  	_ =	shalt  }
0x7a: {  	_ =	shalt  }
0x7b: {  	_ =	shalt  }
0x7c: {  	_ =	shalt  }
0x7d: {  	_ =	shalt  }
0x7e: {  	_ =	shalt  }
0x7f: {  	_ =	shalt  }
0x80: {  	_ =	shalt  }
0x81: {  	_ =	shalt  }
0x82: {  	_ =	shalt  }
0x83: {  	_ =	shalt  }
0x84: {  	_ =	shalt  }
0x85: {  	_ =	shalt  }
0x86: {  	_ =	shalt  }
0x87: {  	_ =	shalt  }
.Lfunc_end0:
.L_simem_size_0:
called_computation.1_lowered:
.L_overlay_start_0:
0x88: {  	s2 =	sld [smem:$0x3FD9]  }
0x89: {  	s3 =	sld [smem:$0x3FFE];
	_ =	sdelay $0x1  }
0x8a: {  	s1 =	srdreg.scid  }
0x8b: {  	s0 =	sand.u32 $0x1, s1  }
0x8c: {  	s16 =	sshll.u32 s0, $0xA;
	s2 =	sadd.s32 s3, s2  }
0x8d: {  	s2 =	sadd.s32 s2, s16  }
0x8e: {  	[smem:$0x3FB9] =	sst s2  }
0x8f: {  	_ = 	snop  }
0x90: {  	(tm) =	ssettm $0x1  }
0x91: {  	s17 =	sld [smem:$0x3FFB];
	_ =	sdelay $0x3  }
0x92: {  	_ =	strace s17  }
0x93: {  	s2 =	sld [smem:$0x3FFC];
	_ =	sdelay $0x3  }
0x94: {  	_ =	strace s2  }
0x95: {  	s2 =	sld [smem:$0x3FFD];
	_ =	sdelay $0x3  }
0x96: {  	_ =	strace s2  }
0x97: {  	_ =	strace $0x8FFFFFFF  }
0x98: {  	s18 =	sld [smem:$0x3FDB];
	_ =	sdelay $0x1  }
0x99: {  	s19 =	simm.s32 $_scs_section_size  }
0x9a: {  	s4 =	simm.s32 $_size__tile_overlayer_lowered;
	s5 =	simm.s32 $_tile_overlayer_lowered  }
0x9b: {  	s22 =	simm.s32 $0x1BFF;
	s21 =	sshll.u32 s5, $0x1;
	s2 =	sadd.s32 s19, s18  }
0x9c: {  	s6 =	simm.s32 $0x0;
	s20 =	sshll.u32 s4, $0x1;
	s4 =	sadd.s32 s21, s2  }
0x9d: {  	[timem:s6], [sflag:s22] =	dma.local [hbm:s4], s20  }
0x9e: {  	_ =	swait.ge [sflag:s22], s20  }
0x9f: {  	s3 =	ssub.s32 $0x0, s20;
	[sflag:s22] =	ssyncset.done $0x0  }
0xa0: {  	[sflag:s22] =	ssyncadd.s32 s3;
	_ =	sdelay $0x1  }
0xa1: {  	s23 =	simm.s32 $0x1B8B  }
0xa2: {  	_ =	swait.ge [sflag:s23], $0x1  }
0xa3: {  	[sflag:s23] =	ssyncset.done $0x0  }
0xa4: {  	s25 =	simm.s32 $0x1B8E;
	s24 =	sld [smem:$0x3FFE];
	[sflag:s23] =	ssyncadd.s32 $0xFFFFFFFF  }
0xa5: {  	s26 =	simm.s32 $execute0_lowered;
	[smem:$0x3FD2] =	sst s25  }
0xa6: {  	s4 =	sshll.u32 s26, $0x1;
	_ =	strace $0x80000049;
	[dreg:$0x1] =	wrdreg $0xFFFFFFFF  }
0xa7: {  	s28 =	simm.s32 $_size_execute0_lowered;
	s2 =	sadd.s32 s2, s4;
	[dreg:$0x0] =	wrdreg $0x0  }
0xa8: {  	s4 =	sshll.u32 s28, $0x1;
	[dreg:$0x2] =	wrdreg s2  }
0xa9: {  	[dreg:$0x3] =	wrdreg s4  }
0xaa: {  	[dreg:$0x4] =	wrdreg $0xC0  }
0xab: {  	_ =	task [dreg:s6], $0x5FFFF  }
0xac: {  	[dreg:$0x1] =	wrdreg $0xFFFFFFFF  }
0xad: {  	[dreg:$0x0] =	wrdreg $0x60  }
0xae: {  	[dreg:$0x2] =	wrdreg s24  }
0xaf: {  	[dreg:$0x3] =	wrdreg $0x1EA00  }
0xb0: {  	[dreg:$0x4] =	wrdreg $0x9  }
0xb1: {  	_ =	task.clear_ibuf [dreg:s6], $0x5FFFF;
	_ =	strace $0x90000049  }
0xb2: {  	s29 =	simm.s32 $0x9;
	_ =	strace $0x8000004B  }
0xb3: {  	_ =	swait.ge [sflag:s29], $0x1  }
0xb4: {  	[sflag:s29] =	ssyncadd.s32 $0xFFFFFFFF  }
0xb5: {  	_ =	strace $0x9000004B  }
0xb6: {  	_ =	sfence  }
0xb7: {  	s30 =	sld [smem:$0x0];
	_ =	sdelay $0x2  }
0xb8: {  	s31 =	sshll.u32 s1, $0xD;
	s1 =	sshrl.u32 s1, $0x2  }
0xb9: {  	s3 =	sand.u32 $0x4000, s31;
	s1 =	sadd.s32 s1, s30  }
0xba: {  	s0 =	sor.u32 s3, s0;
	s1 =	sshll.u32 s1, $0x11  }
0xbb: {  	s0 =	sor.u32 s1, s0  }
0xbc: {  	s0 =	sadd.s32 $0x8F2B, s0  }
0xbd: {  	[sflag:s0] =	ssyncadd.remote.s32 $0x1  }
0xbe: {  	_ =	sfence.sel $0xFFFF  }
0xbf: {  	[dreg:$0x0] =	wrdreg $0xFFFFFFFF;
	(pc) =	sbr.abs _section_cstart, $3  }
0xc0: {  	[dreg:$0x1] =	wrdreg $0xFFFFFFFF  }
0xc1: {  	_ =	task.clear_ibuf [dreg:s6], $0x2FFFF;
	_ =	strace $0x9FFFFFFF  }
0xc2: {  	(tm) =	ssettm $0x7FFFFFFF  }
0xc3: {  	_ =	shalt  }
tec
execute0_lowered:
.L_overlay_start_1:
0x0: {  	(tag) =	ssettag $0x1  }
0x1: {  	s9 =	rddreg [dreg:$0x0]  }
0x2: {  	s2 =	rddreg [dreg:$0x1]  }
0x3: {  	s0 =	rddreg [dreg:$0x2];
	s3 =	simm.s32 $0x0  }
0x4: {  	s1 =	stileid.u32;
	s5 =	srdreg.scid;
	s15 =	simm.s32 $0x50  }
0x5: {  	s16 =	simm.s32 $0xA0;
	s17 =	simm.s32 $0x1;
	s18 =	simm.s32 $0x0  }
0x6: {  	[smem:$0x7FF] =	sst s3;
	s4 =	smul.u32 $0x9C4, s1;
	s6 =	sand.u32 $0x1, s5  }
0x7: {  	s7 =	sadd.s32 $0x52800, s9;
	s10 =	smul.u32 $0xEA00, s1;
	s29 =	sshll.u32 s1, $0x6  }
0x8: {  	s14 =	sadd.s32 $0xEA000, s2;
	_ =	strace $0x8000004A;
	s5 =	ssub.s32 $0x2, s6  }
0x9: {  	s12 =	smul.u32 $0xEA600, s6;
	p0 =	seq.s32 s6, $0x1;
	s11 =	sadd.s32 s4, s9  }
0xa: {  	s4 =	sadd.s32 $0x50A00, s9;
	s8 =	sshrl.u32 s5, $0x1;
	s13 =	sadd.s32 s10, s2  }
0xb: {  	s8 =	ssub.s32 s5, s8;
	s5 =	sor.u32 $0x1C02, s29;
	s30 =	sadd.s32 s10, s12  }
0xc: {  	s31 =	sshrl.u32 s12, $0x3;
	s12 =	simm.s32 $0x15E00;
	s6 =	sshrl.u32 s30, $0x3  }
0xd: {  	s10 =	sadd.s32 s7, s31;
	s12 =	simm.s32 @!p0 $0x33400;
	s8 =	smax.u32 s8, $0x1  }
0xe: {  	p0 =	sne.s32 s1, $0xF;
	s6 =	sadd.s32 s7, s6;
	s7 =	sadd.s32 $0x1D400, s10  }
0xf: {  	s9 =	sadd.s32 s12, s9;
	s10 =	sadd.s32 $0x2200, s11;
	s11 =	sadd.s32 $0xC000, s11  }
0x10: {  	s12 =	sshrl.u32 s13, $0x3;
	s13 =	simm.s32 $0x2;
	s14 =	sshrl.u32 @!p0 s14, $0x3  }
.LBB2_1:
0x11: {  	[spmem:s12], [sflag:s5] =	dma.local [hbm:s4], $0x1D40  }
0x12: {  	_ =	swait.ge [sflag:s13], $0x1D40  }
0x13: {  	[sflag:s13] =	ssyncset.done $0x0  }
0x14: {  	s19 =	simm.s32 @!p0 $0x2;
	[sflag:s13] =	ssyncadd.s32 $0xFFFFE2C0  }
0x15: {  	[spmem:s14], [sflag:s5] =	dma.local @!p0 [hbm:s4], $0xC0  }
0x16: {  	_ =	swait.ge @!p0 [sflag:s19], $0xC0  }
0x17: {  	[sflag:s19] =	ssyncset.done @!p0 $0x0  }
0x18: {  	[sflag:s19] =	ssyncadd.s32 @!p0 $0xFFFFFF40  }
0x19: {  	s30 =	sadd.s32 $0x0, s11;
	[bflag:$0x0] =	sbarrier.arrive $0xFFFF  }
0x1a: {  	[tilespmem:s3], [sflag:$0x2] =	stream.linear.gather [hbm4b:s30+s3], $0x50, $0x38;
	[tilespmem:$0x10900] =	vst v63  }
0x1b: {  	_ =	swait.ge [sflag:s13], $0x50  }
0x1c: {  	[sflag:s13] =	ssyncset.done $0x0  }
0x1d: {  	s31 =	sadd.s32 $0x0, s10;
	[sflag:s13] =	ssyncadd.s32 $0xFFFFFFB0  }
0x1e: {  	[tilespmem:s15], [sflag:$0x2] =	stream.linear.gather [hbm4b:s31+s3], $0x50, $0x38;
	[tilespmem:$0x10900] =	vst v63  }
0x1f: {  	_ =	swait.ge [sflag:s13], $0x50  }
0x20: {  	[sflag:s13] =	ssyncset.done $0x0  }
0x21: {  	[sflag:s13] =	ssyncadd.s32 $0xFFFFFFB0  }
0x22: {  	[tilespmem:s16], [sflag:$0x1] =	stream.indirect.gather [hbm4b:s9+s15], $0x60, s3, s15, $0xb8;
	[tilespmem:$0x10900] =	vst v63  }
0x23: {  	_ =	swait.ge [sflag:s17], $0x1E00  }
0x24: {  	[sflag:s17] =	ssyncset.done $0x0  }
0x25: {  	[sflag:s17] =	ssyncadd.s32 $0xFFFFE200  }
0x26: {  	[spmem:s2] =	stream.indirect.scatter.add.f32 [tilespmem:s16], [sflag:$0x2], $0x60, s15, s15, $0xb8;
	[tilespmem:$0x10900] =	vst v63  }
0x27: {  	_ =	swait.ge [sflag:s13], $0x1E00  }
0x28: {  	s20 =	simm.s32 $0x14;
	s19 =	simm.s32 $0xA;
	[sflag:s13] =	ssyncset.done $0x0  }
.LBB2_2:
0x29: {  	s21 =	sadd.s32 s19, s11  }
0x2a: {  	[sflag:s13] =	ssyncadd.s32 $0xFFFFE200;
	s22 =	smov.u32 s20;
	s23 =	sadd.s32 $0xA, s20  }
0x2b: {  	[tilespmem:s3], [sflag:$0x2] =	stream.linear.gather [hbm4b:s21+s3], $0x50, $0x38;
	[tilespmem:$0x10900] =	vst v63  }
0x2c: {  	p1 =	sne.s32 s20, $0x9BA;
	_ =	swait.ge [sflag:s13], $0x50  }
0x2d: {  	[sflag:s13] =	ssyncset.done $0x0  }
0x2e: {  	s20 =	sadd.s32 s19, s10;
	s19 =	smov.u32 s22;
	[sflag:s13] =	ssyncadd.s32 $0xFFFFFFB0  }
0x2f: {  	[tilespmem:s15], [sflag:$0x2] =	stream.linear.gather [hbm4b:s20+s3], $0x50, $0x38;
	[tilespmem:$0x10900] =	vst v63  }
0x30: {  	_ =	swait.ge [sflag:s13], $0x50  }
0x31: {  	[sflag:s13] =	ssyncset.done $0x0  }
0x32: {  	[sflag:s13] =	ssyncadd.s32 $0xFFFFFFB0  }
0x33: {  	[tilespmem:s16], [sflag:$0x1] =	stream.indirect.gather [hbm4b:s9+s15], $0x60, s3, s15, $0xb8;
	[tilespmem:$0x10900] =	vst v63  }
0x34: {  	_ =	swait.ge [sflag:s17], $0x1E00  }
.Ltmp0:
0x35: {  	[sflag:s17] =	ssyncset.done $0x0;
	(pc) =	sbr.rel @p1 .LBB2_2-.Ltmp0, $4  }
0x36: {  	[sflag:s17] =	ssyncadd.s32 $0xFFFFE200  }
0x37: {  	[spmem:s2] =	stream.indirect.scatter.add.f32 [tilespmem:s16], [sflag:$0x2], $0x60, s15, s15, $0xb8;
	[tilespmem:$0x10900] =	vst v63  }
0x38: {  	_ =	swait.ge [sflag:s13], $0x1E00  }
0x39: {  	s20 =	smov.u32 s23;
	[sflag:s13] =	ssyncset.done $0x0  }
0x3a: {  	s20 =	sadd.s32 s19, s11;
	[sflag:s13] =	ssyncadd.s32 $0xFFFFE200  }
0x3b: {  	[tilespmem:s3], [sflag:$0x2] =	stream.linear.gather [hbm4b:s20+s3], $0x50, $0x38;
	[tilespmem:$0x10900] =	vst v63  }
0x3c: {  	_ =	swait.ge [sflag:s13], $0x50  }
0x3d: {  	[sflag:s13] =	ssyncset.done $0x0  }
0x3e: {  	s31 =	sadd.s32 s19, s10;
	[sflag:s13] =	ssyncadd.s32 $0xFFFFFFB0  }
0x3f: {  	[tilespmem:s15], [sflag:$0x2] =	stream.linear.gather [hbm4b:s31+s3], $0x50, $0x38;
	[tilespmem:$0x10900] =	vst v63  }
0x40: {  	_ =	swait.ge [sflag:s13], $0x50  }
0x41: {  	[sflag:s13] =	ssyncset.done $0x0  }
0x42: {  	[sflag:s13] =	ssyncadd.s32 $0xFFFFFFB0  }
0x43: {  	[tilespmem:s16], [sflag:$0x1] =	stream.indirect.gather [hbm4b:s9+s15], $0x60, s3, s15, $0xb8;
	[tilespmem:$0x10900] =	vst v63  }
0x44: {  	_ =	swait.ge [sflag:s17], $0x1E00  }
0x45: {  	[sflag:s17] =	ssyncset.done $0x0  }
0x46: {  	[sflag:s17] =	ssyncadd.s32 $0xFFFFE200  }
0x47: {  	[spmem:s2] =	stream.indirect.scatter.add.f32 [tilespmem:s16], [sflag:$0x2], $0x60, s15, s15, $0xb8;
	[tilespmem:$0x10900] =	vst v63  }
0x48: {  	_ =	swait.ge [sflag:s13], $0x1E00  }
0x49: {  	[sflag:s13] =	ssyncset.done $0x0  }
0x4a: {  	[sflag:s13] =	ssyncadd.s32 $0xFFFFE200  }
0x4b: {  	[bflag:$0x0] =	sbarrier.arrive $0xFFFF  }
0x4c: {  	[hbm:s6], [sflag:s5] =	dma.local [spmem:s12], $0x1D40  }
0x4d: {  	s18 =	sadd.s32 $0x1, s18;
	_ =	swait.ge [sflag:s13], $0x1D40  }
0x4e: {  	p1 =	sne.s32 s18, s8;
	[sflag:s13] =	ssyncset.done $0x0  }
.Ltmp1:
0x4f: {  	s19 =	simm.s32 @!p0 $0x2;
	[sflag:s13] =	ssyncadd.s32 $0xFFFFE2C0;
	(pc) =	sbr.rel @p1 .LBB2_1-.Ltmp1, $4  }
0x50: {  	[hbm:s7], [sflag:s5] =	dma.local @!p0 [spmem:s14], $0xC0  }
0x51: {  	_ =	swait.ge @!p0 [sflag:s19], $0xC0  }
0x52: {  	[sflag:s19] =	ssyncset.done @!p0 $0x0  }
0x53: {  	[sflag:s19] =	ssyncadd.s32 @!p0 $0xFFFFFF40  }
0x54: {  	_ =	sfence.sel $0x180000  }
0x55: {  	[bflag:$0x0] =	sbarrier.arrive $0xFFFF  }
0x56: {  	p0 =	sne.s32 s1, $0x0;
	_ =	strace $0x9000004A  }
0x57: {  	s0 =	sadd.s32 @!p0 $0x100000, s0;
	[bflag:$0x2] =	sbarrier.arrive $0xFFFF  }
0x58: {  	[sflag:s0] =	ssyncadd.tile.s32 @!p0 $0x1;
	_ =	shalt  }
.Lfunc_end2:
_tile_overlayer_lowered:
.L_overlay_start_2:
0x59: {  	(tag) =	ssettag $0x2  }
0x5a: {  	s0 =	rddreg [dreg:$0x0];
	s2 =	stileid.u32  }
0x5b: {  	s1 =	rddreg [dreg:$0x1];
	p0 =	sne.s32 s2, $0x0  }
0x5c: {  	s3 =	rddreg [dreg:$0x2];
	[bflag:$0x3] =	sbarrier.arrive $0xFFFF;
	s2 =	simm.s32 @!p0 $0x1C02  }
0x5d: {  	[timem:s3], [sflag:s2] =	dma.local @!p0 [hbm:s0], s1  }
0x5e: {  	s0 =	simm.s32 @!p0 $0x2  }
0x5f: {  	_ =	swait.ge @!p0 [sflag:s0], s1  }
0x60: {  	s1 =	ssub.s32 @!p0 $0x0, s1;
	[sflag:s0] =	ssyncset.done @!p0 $0x0  }
0x61: {  	[sflag:s0] =	ssyncadd.s32 @!p0 s1  }
0x62: {  	[bflag:$0x3] =	sbarrier.arrive $0xFFFF  }
0x63: {  	_ =	shalt  }

// kernel: kernel.7.cloned.1.call-start
scs
__scs_entry_jumppad:
0x0: {  	(pc) =	sbr.rel $0x88, $3  }
0x1: {  	(tag) =	ssettag $0x0;
	lr =	simm.s32 $0x1  }
0x2: {  	[smem:$0x3F92] =	sst lr;
	_ =	strace $0xD0000000  }
0x3: {  	_ = 	snop  }
0x4: {  	_ = 	snop  }
0x5: {  	_ = 	snop  }
0x6: {  	_ = 	snop  }
0x7: {  	_ = 	snop  }
__scs_overlays_trampoline_lowered:
0x8: {  	[smem:$0x3FA1] =	sst s0  }
0x9: {  	[smem:$0x3FA2] =	sst s1  }
0xa: {  	[smem:$0x3FA3] =	sst s2  }
0xb: {  	[smem:$0x3FA4] =	sst s3  }
0xc: {  	[smem:$0x3FA5] =	sst s4  }
0xd: {  	[smem:$0x3FA6] =	sst s5  }
0xe: {  	[smem:$0x3FA7] =	sst s6  }
0xf: {  	[smem:$0x3FA8] =	sst s7  }
0x10: {  	[smem:$0x3FA9] =	sst s8  }
0x11: {  	[smem:$0x3FAA] =	sst s9;
	s0 =	simm.s32 @!p0 $0x0  }
0x12: {  	s1 =	sld [smem:$0x3F90];
	s0 =	simm.s32 @p0 $0x1  }
0x13: {  	[smem:$0x3FAB] =	sst s0;
	s0 =	simm.s32 @!p1 $0x0  }
0x14: {  	s2 =	sld [smem:$0x3F8F];
	s0 =	simm.s32 @p1 $0x1  }
0x15: {  	[smem:$0x3FAC] =	sst s0;
	s0 =	simm.s32 @!p2 $0x0  }
0x16: {  	s3 =	sld [smem:$0x3FDB];
	s0 =	simm.s32 @p2 $0x1  }
0x17: {  	s4 =	simm.s32 $0x1BF5;
	[smem:$0x3FAE] =	sst s0  }
0x18: {  	s0 =	sld [smem:$0x3F91];
	_ =	swait.ge [sflag:s4], $0x0  }
0x19: {  	s7 =	sld [smem:$0x3F92]  }
0x1a: {  	s8 =	sadd.s32 $0xFFFFE003, lr  }
0x1b: {  	s9 =	sadd.s32 $0xFFFFFEF7, lr;
	s5 =	simm.s32 $0xFFFFFFFF;
	p2 =	slt.u32 s8, $0xFFFFF086  }
0x1c: {  	p1 =	slt.u32 s9, $0xF7A;
	s5 =	simm.s32 @!p2 $0x0  }
0x1d: {  	s5 =	simm.s32 @p1 $0x1;
	p0 =	seq.s32 s7, s2  }
0x1e: {  	s7 =	smul.u32 @!p0 $0xF7A, s2;
	p2 =	seq.s32 @!p0 s5, $0x0  }
0x1f: {  	s9 =	smul.u32 $0xF7A, s1;
	s8 =	simm.s32 @!p0 $0x1BF5;
	p2 =	por !p2, p0  }
0x20: {  	[sflag:s8] =	ssyncset.s32 @!p0 $0xFFFFF086;
	s6 =	sadd.s32 @!p0 s3, s7;
	s7 =	simm.s32 @!p0 $0x108  }
0x21: {  	s3 =	sadd.s32 s3, s9;
	s6 =	sadd.s32 @!p0 $0x88, s6;
	s7 =	simm.s32 @p2 $0x1082  }
0x22: {  	[simem:s7], [sflag:s8] =	dma.local @!p0 [hbm:s6], $0xF7A  }
0x23: {  	s9 =	sor.u32 $0xD0000000, s2;
	s6 =	simm.s32 $0x108;
	_ =	swait.ge @!p0 [sflag:s8], $0x0  }
0x24: {  	s3 =	sadd.s32 $0x88, s3;
	s6 =	simm.s32 @!p1 $0x1082;
	[sflag:s4] =	ssyncset.s32 $0xFFFFF086  }
0x25: {  	[simem:s6], [sflag:s4] =	dma.local [hbm:s3], $0xF7A  }
0x26: {  	[smem:$0x3F92] =	sst s1;
	(tag) =	ssettag s2;
	_ =	strace s9  }
0x27: {  	s1 =	sld [smem:$0x3FA2]  }
0x28: {  	s2 =	sld [smem:$0x3FA3]  }
0x29: {  	s4 =	sld [smem:$0x3FA5]  }
0x2a: {  	p0 =	seq.s32 s5, $0x0;
	s5 =	sld [smem:$0x3FA6]  }
0x2b: {  	s6 =	sld [smem:$0x3FA7]  }
0x2c: {  	s7 =	sld [smem:$0x3FA8]  }
0x2d: {  	s3 =	simm.s32 $0x108;
	s8 =	sld [smem:$0x3FA9]  }
0x2e: {  	s3 =	simm.s32 @!p0 $0x1082;
	s9 =	sld [smem:$0x3FAA]  }
0x2f: {  	lr =	sadd.s32 s0, s3;
	s0 =	sld [smem:$0x3FA1]  }
0x30: {  	s3 =	sld [smem:$0x3FA4]  }
0x31: {  	[smem:$0x3FAD] =	sst s10  }
0x32: {  	s10 =	sld [smem:$0x3FAB];
	_ =	sdelay $0x3  }
0x33: {  	p0 =	seq.s32 s10, $0x1;
	s10 =	sld [smem:$0x3FAD];
	_ =	sdelay $0x3  }
0x34: {  	[smem:$0x3FAD] =	sst s10  }
0x35: {  	s10 =	sld [smem:$0x3FAC];
	_ =	sdelay $0x3  }
0x36: {  	p1 =	seq.s32 s10, $0x1;
	s10 =	sld [smem:$0x3FAD];
	_ =	sdelay $0x3  }
0x37: {  	[smem:$0x3FAD] =	sst s10  }
0x38: {  	s10 =	sld [smem:$0x3FAE]  }
0x39: {  	_ = 	snop;
	(pc) =	sbr.ind lr, $3  }
0x3a: {  	_ = 	snop  }
0x3b: {  	_ = 	snop  }
0x3c: {  	p2 =	seq.s32 s10, $0x1;
	s10 =	sld [smem:$0x3FAD]  }
0x3d: {  	_ =	shalt  }
0x3e: {  	_ =	shalt  }
0x3f: {  	_ =	shalt  }
0x40: {  	_ =	shalt  }
0x41: {  	_ =	shalt  }
0x42: {  	_ =	shalt  }
0x43: {  	_ =	shalt  }
0x44: {  	_ =	shalt  }
0x45: {  	_ =	shalt  }
0x46: {  	_ =	shalt  }
0x47: {  	_ =	shalt  }
0x48: {  	_ =	shalt  }
0x49: {  	_ =	shalt  }
0x4a: {  	_ =	shalt  }
0x4b: {  	_ =	shalt  }
0x4c: {  	_ =	shalt  }
0x4d: {  	_ =	shalt  }
0x4e: {  	_ =	shalt  }
0x4f: {  	_ =	shalt  }
0x50: {  	_ =	shalt  }
0x51: {  	_ =	shalt  }
0x52: {  	_ =	shalt  }
0x53: {  	_ =	shalt  }
0x54: {  	_ =	shalt  }
0x55: {  	_ =	shalt  }
0x56: {  	_ =	shalt  }
0x57: {  	_ =	shalt  }
0x58: {  	_ =	shalt  }
0x59: {  	_ =	shalt  }
0x5a: {  	_ =	shalt  }
0x5b: {  	_ =	shalt  }
0x5c: {  	_ =	shalt  }
0x5d: {  	_ =	shalt  }
0x5e: {  	_ =	shalt  }
0x5f: {  	_ =	shalt  }
0x60: {  	_ =	shalt  }
0x61: {  	_ =	shalt  }
0x62: {  	_ =	shalt  }
0x63: {  	_ =	shalt  }
0x64: {  	_ =	shalt  }
0x65: {  	_ =	shalt  }
0x66: {  	_ =	shalt  }
0x67: {  	_ =	shalt  }
0x68: {  	_ =	shalt  }
0x69: {  	_ =	shalt  }
0x6a: {  	_ =	shalt  }
0x6b: {  	_ =	shalt  }
0x6c: {  	_ =	shalt  }
0x6d: {  	_ =	shalt  }
0x6e: {  	_ =	shalt  }
0x6f: {  	_ =	shalt  }
0x70: {  	_ =	shalt  }
0x71: {  	_ =	shalt  }
0x72: {  	_ =	shalt  }
0x73: {  	_ =	shalt  }
0x74: {  	_ =	shalt  }
0x75: {  	_ =	shalt  }
0x76: {  	_ =	shalt  }
0x77: {  	_ =	shalt  }
0x78: {  	_ =	shalt  }
0x79: {  	_ =	shalt  }
0x7a: {  	_ =	shalt  }
0x7b: {  	_ =	shalt  }
0x7c: {  	_ =	shalt  }
0x7d: {  	_ =	shalt  }
0x7e: {  	_ =	shalt  }
0x7f: {  	_ =	shalt  }
0x80: {  	_ =	shalt  }
0x81: {  	_ =	shalt  }
0x82: {  	_ =	shalt  }
0x83: {  	_ =	shalt  }
0x84: {  	_ =	shalt  }
0x85: {  	_ =	shalt  }
0x86: {  	_ =	shalt  }
0x87: {  	_ =	shalt  }
.Lfunc_end0:
.L_simem_size_0:
called_computation_lowered:
.L_overlay_start_0:
0x88: {  	s2 =	sld [smem:$0x3FD9]  }
0x89: {  	s3 =	sld [smem:$0x3FFE];
	_ =	sdelay $0x1  }
0x8a: {  	s1 =	srdreg.scid  }
0x8b: {  	s0 =	sand.u32 $0x1, s1  }
0x8c: {  	s16 =	sshll.u32 s0, $0xA;
	s2 =	sadd.s32 s3, s2  }
0x8d: {  	s2 =	sadd.s32 s2, s16  }
0x8e: {  	[smem:$0x3FB9] =	sst s2  }
0x8f: {  	_ = 	snop  }
0x90: {  	(tm) =	ssettm $0x1  }
0x91: {  	s17 =	sld [smem:$0x3FFB];
	_ =	sdelay $0x3  }
0x92: {  	_ =	strace s17  }
0x93: {  	s2 =	sld [smem:$0x3FFC];
	_ =	sdelay $0x3  }
0x94: {  	_ =	strace s2  }
0x95: {  	s2 =	sld [smem:$0x3FFD];
	_ =	sdelay $0x3  }
0x96: {  	_ =	strace s2  }
0x97: {  	_ =	strace $0x8FFFFFFF  }
0x98: {  	s18 =	sld [smem:$0x3FDB];
	_ =	sdelay $0x1  }
0x99: {  	s19 =	simm.s32 $_scs_section_size  }
0x9a: {  	s4 =	simm.s32 $_size__tile_overlayer_lowered;
	s5 =	simm.s32 $_tile_overlayer_lowered  }
0x9b: {  	s22 =	simm.s32 $0x1BFF;
	s21 =	sshll.u32 s5, $0x1;
	s2 =	sadd.s32 s19, s18  }
0x9c: {  	s6 =	simm.s32 $0x0;
	s20 =	sshll.u32 s4, $0x1;
	s4 =	sadd.s32 s21, s2  }
0x9d: {  	[timem:s6], [sflag:s22] =	dma.local [hbm:s4], s20  }
0x9e: {  	_ =	swait.ge [sflag:s22], s20  }
0x9f: {  	s3 =	ssub.s32 $0x0, s20;
	[sflag:s22] =	ssyncset.done $0x0  }
0xa0: {  	[sflag:s22] =	ssyncadd.s32 s3;
	_ =	sdelay $0x1  }
0xa1: {  	s23 =	simm.s32 $0x1B8B  }
0xa2: {  	_ =	swait.ge [sflag:s23], $0x1  }
0xa3: {  	[sflag:s23] =	ssyncset.done $0x0  }
0xa4: {  	s25 =	simm.s32 $0x1B8E;
	s24 =	sld [smem:$0x3FFE];
	[sflag:s23] =	ssyncadd.s32 $0xFFFFFFFF  }
0xa5: {  	s26 =	simm.s32 $execute0_lowered;
	[smem:$0x3FD2] =	sst s25  }
0xa6: {  	s4 =	sshll.u32 s26, $0x1;
	_ =	strace $0x80000046;
	[dreg:$0x1] =	wrdreg $0xFFFFFFFF  }
0xa7: {  	s28 =	simm.s32 $_size_execute0_lowered;
	s2 =	sadd.s32 s2, s4;
	[dreg:$0x0] =	wrdreg $0x0  }
0xa8: {  	s4 =	sshll.u32 s28, $0x1;
	[dreg:$0x2] =	wrdreg s2  }
0xa9: {  	[dreg:$0x3] =	wrdreg s4  }
0xaa: {  	[dreg:$0x4] =	wrdreg $0xC0  }
0xab: {  	_ =	task [dreg:s6], $0x5FFFF  }
0xac: {  	[dreg:$0x1] =	wrdreg $0xFFFFFFFF  }
0xad: {  	[dreg:$0x0] =	wrdreg $0x60  }
0xae: {  	[dreg:$0x2] =	wrdreg s24  }
0xaf: {  	[dreg:$0x3] =	wrdreg $0x29000  }
0xb0: {  	[dreg:$0x4] =	wrdreg $0x9  }
0xb1: {  	_ =	task.clear_ibuf [dreg:s6], $0x5FFFF;
	_ =	strace $0x90000046  }
0xb2: {  	s29 =	simm.s32 $0x9;
	_ =	strace $0x80000048  }
0xb3: {  	_ =	swait.ge [sflag:s29], $0x1  }
0xb4: {  	[sflag:s29] =	ssyncadd.s32 $0xFFFFFFFF  }
0xb5: {  	_ =	strace $0x90000048  }
0xb6: {  	_ =	sfence  }
0xb7: {  	s30 =	sld [smem:$0x0];
	_ =	sdelay $0x2  }
0xb8: {  	s31 =	sshll.u32 s1, $0xD;
	s1 =	sshrl.u32 s1, $0x2  }
0xb9: {  	s3 =	sand.u32 $0x4000, s31;
	s1 =	sadd.s32 s1, s30  }
0xba: {  	s0 =	sor.u32 s3, s0;
	s1 =	sshll.u32 s1, $0x11  }
0xbb: {  	s0 =	sor.u32 s1, s0  }
0xbc: {  	s0 =	sadd.s32 $0x8F2B, s0  }
0xbd: {  	[sflag:s0] =	ssyncadd.remote.s32 $0x1  }
0xbe: {  	_ =	sfence.sel $0xFFFF  }
0xbf: {  	[dreg:$0x0] =	wrdreg $0xFFFFFFFF;
	(pc) =	sbr.abs _section_cstart, $3  }
0xc0: {  	[dreg:$0x1] =	wrdreg $0xFFFFFFFF  }
0xc1: {  	_ =	task.clear_ibuf [dreg:s6], $0x2FFFF;
	_ =	strace $0x9FFFFFFF  }
0xc2: {  	(tm) =	ssettm $0x7FFFFFFF  }
0xc3: {  	_ =	shalt  }
tec
execute0_lowered:
.L_overlay_start_1:
0x0: {  	(tag) =	ssettag $0x1  }
0x1: {  	s1 =	srdreg.scid;
	s6 =	rddreg [dreg:$0x0]  }
0x2: {  	s0 =	stileid.u32;
	s2 =	rddreg [dreg:$0x1]  }
0x3: {  	s3 =	simm.s32 $0x0;
	s16 =	simm.s32 $0x50;
	s17 =	simm.s32 $0x100  }
0x4: {  	s18 =	simm.s32 $0x1;
	s19 =	simm.s32 $0x0;
	s4 =	smul.u32 $0x4E20, s0  }
0x5: {  	s7 =	sand.u32 $0x1, s1;
	s1 =	rddreg [dreg:$0x2];
	s8 =	smul.u32 $0x4E000, s0  }
0x6: {  	[smem:$0x7FF] =	sst s3;
	s12 =	smul.u32 $0x13800, s0;
	s13 =	sadd.s32 $0x3F800, s6  }
0x7: {  	s29 =	sshll.u32 s0, $0x6;
	s15 =	sadd.s32 $0x138000, s2;
	p0 =	sne.s32 s0, $0xF  }
0x8: {  	s5 =	smul.u32 $0x2710, s7;
	_ =	strace $0x80000047;
	s9 =	ssub.s32 $0x2, s7  }
0x9: {  	s7 =	smul.u32 $0x138800, s7;
	s10 =	sshrl.u32 s9, $0x1;
	s8 =	sshrl.u32 s8, $0x2  }
0xa: {  	s4 =	sadd.s32 s5, s4;
	s9 =	ssub.s32 s9, s10;
	s14 =	sadd.s32 s8, s2  }
0xb: {  	s30 =	sadd.s32 s12, s7;
	s7 =	sshrl.u32 s7, $0x3;
	s5 =	sshrl.u32 s4, $0x3  }
0xc: {  	s4 =	sadd.s32 $0x15E00, s6;
	s8 =	sshrl.u32 s30, $0x3;
	s31 =	sadd.s32 s13, s7  }
0xd: {  	s9 =	smax.u32 s9, $0x1;
	s12 =	sshrl.u32 s14, $0x3;
	s14 =	sshrl.u32 @!p0 s15, $0x3  }
0xe: {  	s15 =	simm.s32 $0x80;
	s11 =	sadd.s32 s5, s6;
	s5 =	sadd.s32 $0x3D000, s6  }
0xf: {  	s6 =	sor.u32 $0x1C02, s29;
	s7 =	sadd.s32 s13, s8;
	s8 =	sadd.s32 $0x27000, s31  }
0x10: {  	s13 =	simm.s32 $0x2;
	s10 =	sadd.s32 $0x2200, s11;
	s11 =	sadd.s32 $0xC000, s11  }
.LBB2_1:
0x11: {  	[spmem:s12], [sflag:s6] =	dma.local [hbm:s5], $0x2700  }
0x12: {  	_ =	swait.ge [sflag:s13], $0x2700  }
0x13: {  	[sflag:s13] =	ssyncset.done $0x0  }
0x14: {  	s20 =	simm.s32 @!p0 $0x2;
	[sflag:s13] =	ssyncadd.s32 $0xFFFFD900  }
0x15: {  	[spmem:s14], [sflag:s6] =	dma.local @!p0 [hbm:s5], $0x100  }
0x16: {  	_ =	swait.ge @!p0 [sflag:s20], $0x100  }
0x17: {  	[sflag:s20] =	ssyncset.done @!p0 $0x0  }
0x18: {  	[sflag:s20] =	ssyncadd.s32 @!p0 $0xFFFFFF00  }
0x19: {  	s30 =	sadd.s32 $0x0, s11;
	[bflag:$0x0] =	sbarrier.arrive $0xFFFF  }
0x1a: {  	[tilespmem:s3], [sflag:$0x2] =	stream.linear.gather [hbm4b:s30+s3], $0x50, $0x38;
	[tilespmem:$0x16180] =	vst v63  }
0x1b: {  	_ =	swait.ge [sflag:s13], $0x50  }
0x1c: {  	[sflag:s13] =	ssyncset.done $0x0  }
0x1d: {  	s31 =	sadd.s32 $0x0, s10;
	[sflag:s13] =	ssyncadd.s32 $0xFFFFFFB0  }
0x1e: {  	[tilespmem:s15], [sflag:$0x2] =	stream.linear.gather [hbm4b:s31+s3], $0x50, $0x38;
	[tilespmem:$0x16180] =	vst v63  }
0x1f: {  	_ =	swait.ge [sflag:s13], $0x50  }
0x20: {  	[sflag:s13] =	ssyncset.done $0x0  }
0x21: {  	[sflag:s13] =	ssyncadd.s32 $0xFFFFFFB0  }
0x22: {  	[tilespmem:s17], [sflag:$0x1] =	stream.indirect.gather [hbm4b:s4+s16], $0x80, s3, s16, $0xb8;
	[tilespmem:$0x16180] =	vst v63  }
0x23: {  	_ =	swait.ge [sflag:s18], $0x2800  }
0x24: {  	[sflag:s18] =	ssyncset.done $0x0  }
0x25: {  	[sflag:s18] =	ssyncadd.s32 $0xFFFFD800  }
0x26: {  	[spmem:s2] =	stream.indirect.scatter.add.f32 [tilespmem:s17], [sflag:$0x2], $0x80, s15, s16, $0xb8;
	[tilespmem:$0x16180] =	vst v63  }
0x27: {  	_ =	swait.ge [sflag:s13], $0x2800  }
0x28: {  	s21 =	simm.s32 $0x14;
	s20 =	simm.s32 $0xA;
	[sflag:s13] =	ssyncset.done $0x0  }
.LBB2_2:
0x29: {  	s22 =	sadd.s32 s20, s11  }
0x2a: {  	[sflag:s13] =	ssyncadd.s32 $0xFFFFD800;
	s23 =	smov.u32 s21;
	s24 =	sadd.s32 $0xA, s21  }
0x2b: {  	[tilespmem:s3], [sflag:$0x2] =	stream.linear.gather [hbm4b:s22+s3], $0x50, $0x38;
	[tilespmem:$0x16180] =	vst v63  }
0x2c: {  	p1 =	sne.s32 s21, $0x4D8;
	_ =	swait.ge [sflag:s13], $0x50  }
0x2d: {  	[sflag:s13] =	ssyncset.done $0x0  }
0x2e: {  	s21 =	sadd.s32 s20, s10;
	s20 =	smov.u32 s23;
	[sflag:s13] =	ssyncadd.s32 $0xFFFFFFB0  }
0x2f: {  	[tilespmem:s15], [sflag:$0x2] =	stream.linear.gather [hbm4b:s21+s3], $0x50, $0x38;
	[tilespmem:$0x16180] =	vst v63  }
0x30: {  	_ =	swait.ge [sflag:s13], $0x50  }
0x31: {  	[sflag:s13] =	ssyncset.done $0x0  }
0x32: {  	[sflag:s13] =	ssyncadd.s32 $0xFFFFFFB0  }
0x33: {  	[tilespmem:s17], [sflag:$0x1] =	stream.indirect.gather [hbm4b:s4+s16], $0x80, s3, s16, $0xb8;
	[tilespmem:$0x16180] =	vst v63  }
0x34: {  	_ =	swait.ge [sflag:s18], $0x2800  }
.Ltmp0:
0x35: {  	[sflag:s18] =	ssyncset.done $0x0;
	(pc) =	sbr.rel @p1 .LBB2_2-.Ltmp0, $4  }
0x36: {  	[sflag:s18] =	ssyncadd.s32 $0xFFFFD800  }
0x37: {  	[spmem:s2] =	stream.indirect.scatter.add.f32 [tilespmem:s17], [sflag:$0x2], $0x80, s15, s16, $0xb8;
	[tilespmem:$0x16180] =	vst v63  }
0x38: {  	_ =	swait.ge [sflag:s13], $0x2800  }
0x39: {  	s21 =	smov.u32 s24;
	[sflag:s13] =	ssyncset.done $0x0  }
0x3a: {  	s21 =	sadd.s32 s20, s11;
	[sflag:s13] =	ssyncadd.s32 $0xFFFFD800  }
0x3b: {  	[tilespmem:s3], [sflag:$0x2] =	stream.linear.gather [hbm4b:s21+s3], $0x50, $0x38;
	[tilespmem:$0x16180] =	vst v63  }
0x3c: {  	_ =	swait.ge [sflag:s13], $0x50  }
0x3d: {  	[sflag:s13] =	ssyncset.done $0x0  }
0x3e: {  	s31 =	sadd.s32 s20, s10;
	[sflag:s13] =	ssyncadd.s32 $0xFFFFFFB0  }
0x3f: {  	[tilespmem:s15], [sflag:$0x2] =	stream.linear.gather [hbm4b:s31+s3], $0x50, $0x38;
	[tilespmem:$0x16180] =	vst v63  }
0x40: {  	_ =	swait.ge [sflag:s13], $0x50  }
0x41: {  	[sflag:s13] =	ssyncset.done $0x0  }
0x42: {  	[sflag:s13] =	ssyncadd.s32 $0xFFFFFFB0  }
0x43: {  	[tilespmem:s17], [sflag:$0x1] =	stream.indirect.gather [hbm4b:s4+s16], $0x80, s3, s16, $0xb8;
	[tilespmem:$0x16180] =	vst v63  }
0x44: {  	_ =	swait.ge [sflag:s18], $0x2800  }
0x45: {  	[sflag:s18] =	ssyncset.done $0x0  }
0x46: {  	[sflag:s18] =	ssyncadd.s32 $0xFFFFD800  }
0x47: {  	[spmem:s2] =	stream.indirect.scatter.add.f32 [tilespmem:s17], [sflag:$0x2], $0x80, s15, s16, $0xb8;
	[tilespmem:$0x16180] =	vst v63  }
0x48: {  	_ =	swait.ge [sflag:s13], $0x2800  }
0x49: {  	[sflag:s13] =	ssyncset.done $0x0  }
0x4a: {  	[sflag:s13] =	ssyncadd.s32 $0xFFFFD800  }
0x4b: {  	[bflag:$0x0] =	sbarrier.arrive $0xFFFF  }
0x4c: {  	[hbm:s7], [sflag:s6] =	dma.local [spmem:s12], $0x2700  }
0x4d: {  	s19 =	sadd.s32 $0x1, s19;
	_ =	swait.ge [sflag:s13], $0x2700  }
0x4e: {  	p1 =	sne.s32 s19, s9;
	[sflag:s13] =	ssyncset.done $0x0  }
.Ltmp1:
0x4f: {  	s20 =	simm.s32 @!p0 $0x2;
	[sflag:s13] =	ssyncadd.s32 $0xFFFFD900;
	(pc) =	sbr.rel @p1 .LBB2_1-.Ltmp1, $4  }
0x50: {  	[hbm:s8], [sflag:s6] =	dma.local @!p0 [spmem:s14], $0x100  }
0x51: {  	_ =	swait.ge @!p0 [sflag:s20], $0x100  }
0x52: {  	[sflag:s20] =	ssyncset.done @!p0 $0x0  }
0x53: {  	[sflag:s20] =	ssyncadd.s32 @!p0 $0xFFFFFF00  }
0x54: {  	_ =	sfence.sel $0x180000  }
0x55: {  	[bflag:$0x0] =	sbarrier.arrive $0xFFFF  }
0x56: {  	p0 =	sne.s32 s0, $0x0;
	_ =	strace $0x90000047  }
0x57: {  	s0 =	sadd.s32 @!p0 $0x100000, s1;
	[bflag:$0x2] =	sbarrier.arrive $0xFFFF  }
0x58: {  	[sflag:s0] =	ssyncadd.tile.s32 @!p0 $0x1;
	_ =	shalt  }
.Lfunc_end2:
_tile_overlayer_lowered:
.L_overlay_start_2:
0x59: {  	(tag) =	ssettag $0x2  }
0x5a: {  	s0 =	rddreg [dreg:$0x0];
	s2 =	stileid.u32  }
0x5b: {  	s1 =	rddreg [dreg:$0x1];
	p0 =	sne.s32 s2, $0x0  }
0x5c: {  	s3 =	rddreg [dreg:$0x2];
	[bflag:$0x3] =	sbarrier.arrive $0xFFFF;
	s2 =	simm.s32 @!p0 $0x1C02  }
0x5d: {  	[timem:s3], [sflag:s2] =	dma.local @!p0 [hbm:s0], s1  }
0x5e: {  	s0 =	simm.s32 @!p0 $0x2  }
0x5f: {  	_ =	swait.ge @!p0 [sflag:s0], s1  }
0x60: {  	s1 =	ssub.s32 @!p0 $0x0, s1;
	[sflag:s0] =	ssyncset.done @!p0 $0x0  }
0x61: {  	[sflag:s0] =	ssyncadd.s32 @!p0 s1  }
0x62: {  	[bflag:$0x3] =	sbarrier.arrive $0xFFFF  }
0x63: {  	_ =	shalt  }

</sc_bundles>
